<compile_context>
chip_gen: v7x
topology: tpu7x:2x2x1
jax: 0.10.2.dev20260603
libtpu: 0.0.44.dev20260713+nightly
codegen_flags: <defaults>
</compile_context>

<pallas_src>
import functools

import jax
import jax.numpy as jnp
from jax import lax
from jax.experimental import pallas as pl
from jax.experimental.pallas import tpu as pltpu
from jax.experimental.pallas import tpu_sc as plsc

_D = 300
_B = 16384 * 200

_info = plsc.get_sparse_core_info()
_NW = _info.num_cores * _info.num_subcores
_RPW = _B // _NW
_C = 80
_STEPS = _RPW // _C

_mesh = plsc.VectorSubcoreMesh(core_axis_name="c", subcore_axis_name="s")


@functools.partial(
    pl.kernel,
    out_type=jax.ShapeDtypeStruct((_B, _D), jnp.float32),
    mesh=_mesh,
    scratch_types=[
        pltpu.VMEM((_C,), jnp.int32),
        pltpu.VMEM((_C,), jnp.int32),
        pltpu.VMEM((_C, _D), jnp.float32),
        pltpu.VMEM((_C, _D), jnp.float32),
        pltpu.VMEM((_C, 128), jnp.float32),
        pltpu.VMEM((_C, 128), jnp.float32),
        pltpu.SemaphoreType.DMA,
        pltpu.SemaphoreType.DMA,
        pltpu.SemaphoreType.DMA,
        pltpu.SemaphoreType.DMA,
        pltpu.SemaphoreType.DMA,
        pltpu.SemaphoreType.DMA,
    ],
    compiler_params=pltpu.CompilerParams(needs_layout_passes=False),
)
def _gather_kernel(x_hbm, t01_hbm, t2_hbm, out_hbm,
                   idx0, idx1, rows0, rows1, tail0, tail1,
                   sem0, sem1, isem0, isem1, wsem0, wsem1):
    wid = lax.axis_index("s") * _info.num_cores + lax.axis_index("c")
    base = wid * _RPW
    col16 = lax.iota(jnp.int32, 16) + 284

    idx_v = (idx0, idx1)
    rows_v = (rows0, rows1)
    tail_v = (tail0, tail1)
    sems = (sem0, sem1)
    isems = (isem0, isem1)
    wsems = (wsem0, wsem1)

    def issue_idx(i, s):
        pltpu.async_copy(x_hbm.at[pl.ds(base + i * _C, _C)], idx_v[s], isems[s])

    def issue_gathers(i, s):
        pltpu.make_async_copy(x_hbm.at[pl.ds(base + i * _C, _C)], idx_v[s],
                              isems[s]).wait()

        @pl.when(i >= 2)
        def _():
            pltpu.make_async_copy(
                rows_v[s], out_hbm.at[pl.ds(base + (i - 2) * _C, _C)],
                wsems[s]).wait()

        pltpu.async_copy(t01_hbm.at[idx_v[s]], rows_v[s].at[:, pl.ds(0, 256)],
                         sems[s])
        pltpu.async_copy(t2_hbm.at[idx_v[s]], tail_v[s], sems[s])

    def finish(i, s):
        pltpu.make_async_copy(t01_hbm.at[idx_v[s]],
                              rows_v[s].at[:, pl.ds(0, 256)], sems[s]).wait()
        pltpu.make_async_copy(t2_hbm.at[idx_v[s]], tail_v[s], sems[s]).wait()

        @pl.when(i + 2 < _STEPS)
        def _():
            issue_idx(i + 2, s)

        rv, tv = rows_v[s], tail_v[s]

        @plsc.parallel_loop(0, _C, unroll=8)
        def _patch(r):
            rv[r, pl.ds(256, 16)] = tv[r, pl.ds(80, 16)]
            rv[r, pl.ds(272, 16)] = tv[r, pl.ds(96, 16)]
            row16 = jnp.full((16,), r, dtype=jnp.int32)
            plsc.store_scatter(rv, [row16, col16], tv[r, pl.ds(108, 16)])

        pltpu.async_copy(rv, out_hbm.at[pl.ds(base + i * _C, _C)], wsems[s])

    issue_idx(0, 0)
    issue_idx(1, 1)
    issue_gathers(0, 0)

    @pl.loop(0, _STEPS, step=2)
    def _step(i):
        issue_gathers(i + 1, 1)
        finish(i, 0)

        @pl.when(i + 2 < _STEPS)
        def _():
            issue_gathers(i + 2, 0)

        finish(i + 1, 1)

    pltpu.make_async_copy(rows_v[0],
                          out_hbm.at[pl.ds(base + (_STEPS - 2) * _C, _C)],
                          wsems[0]).wait()
    pltpu.make_async_copy(rows_v[1],
                          out_hbm.at[pl.ds(base + (_STEPS - 1) * _C, _C)],
                          wsems[1]).wait()


def kernel(x, GloVe):
    xf = x.reshape(-1).astype(jnp.int32)
    t01 = GloVe[:, 0:256]
    t2 = jnp.pad(GloVe[:, 176:300], ((0, 0), (0, 4)))
    out = _gather_kernel(xf, t01, t2)
    return out.reshape(x.shape + (GloVe.shape[1],))

# --- scband reference (transcript-rebuilt; emitter-appended) ---
"""Pipeline reference for scband-glo-ve-embedding-57217554317711 (READ-ONLY COPY).

The authoritative reference and input builder live on the scoring server;
editing this copy changes nothing except your own understanding.
"""

import jax, jax.numpy as jnp
import numpy as np

VOCAB = 100000
EMBED_DIM = 300
BATCH = 16384
HIST = 200

def setup_inputs(seed: int = 0) -> dict:
    key = jax.random.key(seed)
    k1, k2 = jax.random.split(key)
    x = jax.random.randint(k1, (BATCH, HIST), 0, VOCAB, dtype=jnp.int64 if jax.config.jax_enable_x64 else jnp.int32)
    GloVe = jax.random.normal(k2, (VOCAB, EMBED_DIM), dtype=jnp.float32)
    return {"x": x, "GloVe": GloVe}

def reference(x, GloVe):
    # tf.nn.embedding_lookup(self.GloVe, x)
    return jnp.take(GloVe, x, axis=0)

if __name__ == "__main__":
    import jax
    _d = setup_inputs()
    print(jax.jit(kernel)(*tuple(_d.values())))

</pallas_src>

<mosaic_0001>
#map = affine_map<(d0, d1) -> (0)>
#map1 = affine_map<(d0, d1) -> (0, 0)>
module attributes {stable_mosaic.version = 14 : i64} {
  func.func @_gather_kernel(%arg0: i32, %arg1: i32, %arg2: memref<3276800xi32, #tpu.memory_space<hbm>>, %arg3: memref<100000x256xf32, #tpu.memory_space<hbm>>, %arg4: memref<100000x128xf32, #tpu.memory_space<hbm>>, %arg5: memref<3276800x300xf32, #tpu.memory_space<hbm>>, %arg6: memref<80xi32, #tpu.memory_space<vmem>>, %arg7: memref<80xi32, #tpu.memory_space<vmem>>, %arg8: memref<80x300xf32, #tpu.memory_space<vmem>>, %arg9: memref<80x300xf32, #tpu.memory_space<vmem>>, %arg10: memref<80x128xf32, #tpu.memory_space<vmem>>, %arg11: memref<80x128xf32, #tpu.memory_space<vmem>>, %arg12: memref<!tpu.dma_semaphore, #tpu.memory_space<semaphore_mem>>, %arg13: memref<!tpu.dma_semaphore, #tpu.memory_space<semaphore_mem>>, %arg14: memref<!tpu.dma_semaphore, #tpu.memory_space<semaphore_mem>>, %arg15: memref<!tpu.dma_semaphore, #tpu.memory_space<semaphore_mem>>, %arg16: memref<!tpu.dma_semaphore, #tpu.memory_space<semaphore_mem>>, %arg17: memref<!tpu.dma_semaphore, #tpu.memory_space<semaphore_mem>>) attributes {dimension_semantics = [#tpu.dimension_semantics<core_parallel>, #tpu.dimension_semantics<subcore_parallel>], iteration_bounds = array<i64: 2, 16>, scalar_prefetch = 0 : i64, scratch_operands = 12 : i64, tpu.core_type = #tpu.core_type<sc_vector_subcore>, window_params = [{transform_indices = #map}, {transform_indices = #map1}, {transform_indices = #map1}, {transform_indices = #map1}]} {
    %mul3A = arith.constant 2 : i32
    %mul3A_0 = arith.muli %arg1, %mul3A : i32
    %add3A = arith.addi %mul3A_0, %arg0 : i32
    %mul3A_1 = arith.constant 102400 : i32
    %mul3A_2 = arith.muli %add3A, %mul3A_1 : i32
    %iota3A = tpu.iota {dimensions = array<i32: 0>} : vector<16xi32>
    %add3A_3 = arith.constant 284 : i32
    %add3A_4 = vector.broadcast %add3A_3 : i32 to vector<16xi32>
    %add3A_5 = arith.addi %iota3A, %add3A_4 : vector<16xi32>
    %add3A_6 = arith.constant 0 : i32
    %add3A_7 = arith.addi %mul3A_2, %add3A_6 : i32
    %dma_start3A = tpu.memref_slice %arg2[%add3A_7] : memref<3276800xi32, #tpu.memory_space<hbm>> -> memref<80xi32, #tpu.memory_space<hbm>>
    %dma_start3A_8 = tpu.memref_slice %arg2[%add3A_7] : memref<3276800xi32, #tpu.memory_space<hbm>> -> memref<80xi32, #tpu.memory_space<hbm>>
    tpu.enqueue_dma source(%dma_start3A_8 : memref<80xi32, #tpu.memory_space<hbm>>) target(%arg6 : memref<80xi32, #tpu.memory_space<vmem>>) target_semaphore(%arg14 : memref<!tpu.dma_semaphore, #tpu.memory_space<semaphore_mem>>)
    %add3A_9 = arith.constant 80 : i32
    %add3A_10 = arith.addi %mul3A_2, %add3A_9 : i32
    %dma_start3A_11 = tpu.memref_slice %arg2[%add3A_10] : memref<3276800xi32, #tpu.memory_space<hbm>> -> memref<80xi32, #tpu.memory_space<hbm>>
    %dma_start3A_12 = tpu.memref_slice %arg2[%add3A_10] : memref<3276800xi32, #tpu.memory_space<hbm>> -> memref<80xi32, #tpu.memory_space<hbm>>
    tpu.enqueue_dma source(%dma_start3A_12 : memref<80xi32, #tpu.memory_space<hbm>>) target(%arg7 : memref<80xi32, #tpu.memory_space<vmem>>) target_semaphore(%arg15 : memref<!tpu.dma_semaphore, #tpu.memory_space<semaphore_mem>>)
    %add3A_13 = arith.constant 0 : i32
    %add3A_14 = arith.addi %mul3A_2, %add3A_13 : i32
    %dma_wait3A = tpu.memref_slice %arg2[%add3A_14] : memref<3276800xi32, #tpu.memory_space<hbm>> -> memref<80xi32, #tpu.memory_space<hbm>>
    %dma_wait3A_15 = tpu.memref_slice %arg2[%add3A_14] : memref<3276800xi32, #tpu.memory_space<hbm>> -> memref<80xi32, #tpu.memory_space<hbm>>
    tpu.wait_dma2 semaphore(%arg14 : memref<!tpu.dma_semaphore, #tpu.memory_space<semaphore_mem>>) src(%dma_wait3A_15 : memref<80xi32, #tpu.memory_space<hbm>>) dst(%arg6 : memref<80xi32, #tpu.memory_space<vmem>>)
    %dma_start3A_16 = arith.constant 0 : i32
    %dma_start3A_17 = arith.constant 0 : i32
    %dma_start3A_18 = tpu.memref_slice %arg8[%dma_start3A_16, %dma_start3A_17] : memref<80x300xf32, #tpu.memory_space<vmem>> -> memref<80x256xf32, #tpu.memory_space<vmem>>
    %dma_start3A_19 = arith.constant 0 : i32
    %dma_start3A_20 = arith.constant 0 : i32
    %dma_start3A_21 = tpu.memref_slice %arg3[%dma_start3A_19, %dma_start3A_20] : memref<100000x256xf32, #tpu.memory_space<hbm>> -> memref<100000x256xf32, #tpu.memory_space<hbm>>
    tpu.enqueue_indirect_dma source(%dma_start3A_21 : memref<100000x256xf32, #tpu.memory_space<hbm>>) target(%dma_start3A_18 : memref<80x256xf32, #tpu.memory_space<vmem>>) offsets(%arg6 : memref<80xi32, #tpu.memory_space<vmem>>) semaphore(%arg12 : memref<!tpu.dma_semaphore, #tpu.memory_space<semaphore_mem>>)
    %dma_start3A_22 = arith.constant 0 : i32
    %dma_start3A_23 = arith.constant 0 : i32
    %dma_start3A_24 = tpu.memref_slice %arg4[%dma_start3A_22, %dma_start3A_23] : memref<100000x128xf32, #tpu.memory_space<hbm>> -> memref<100000x128xf32, #tpu.memory_space<hbm>>
    tpu.enqueue_indirect_dma source(%dma_start3A_24 : memref<100000x128xf32, #tpu.memory_space<hbm>>) target(%arg10 : memref<80x128xf32, #tpu.memory_space<vmem>>) offsets(%arg6 : memref<80xi32, #tpu.memory_space<vmem>>) semaphore(%arg12 : memref<!tpu.dma_semaphore, #tpu.memory_space<semaphore_mem>>)
    %scan3A = arith.constant 0 : i32
    %scan3A_25 = arith.constant 640 : i32
    %scan3A_26 = arith.addi %scan3A, %scan3A_25 : i32
    %scan3A_27 = arith.constant 1 : i32
    scf.for %scan3A_41 = %scan3A to %scan3A_26 step %scan3A_27  : i32 {
      %mul3A_42 = arith.constant 2 : i32
      %mul3A_43 = arith.muli %scan3A_41, %mul3A_42 : i32
      %add3A_44 = arith.constant 0 : i32
      %add3A_45 = arith.addi %add3A_44, %mul3A_43 : i32
      %add3A_46 = arith.constant 1 : i32
      %add3A_47 = arith.addi %add3A_45, %add3A_46 : i32
      %mul3A_48 = arith.constant 80 : i32
      %mul3A_49 = arith.muli %add3A_47, %mul3A_48 : i32
      %add3A_50 = arith.addi %mul3A_2, %mul3A_49 : i32
      %dma_wait3A_51 = tpu.memref_slice %arg2[%add3A_50] : memref<3276800xi32, #tpu.memory_space<hbm>> -> memref<80xi32, #tpu.memory_space<hbm>>
      %dma_wait3A_52 = tpu.memref_slice %arg2[%add3A_50] : memref<3276800xi32, #tpu.memory_space<hbm>> -> memref<80xi32, #tpu.memory_space<hbm>>
      tpu.wait_dma2 semaphore(%arg15 : memref<!tpu.dma_semaphore, #tpu.memory_space<semaphore_mem>>) src(%dma_wait3A_52 : memref<80xi32, #tpu.memory_space<hbm>>) dst(%arg7 : memref<80xi32, #tpu.memory_space<vmem>>)
      %ge3A = arith.constant 2 : i32
      %ge3A_53 = arith.cmpi sge, %add3A_47, %ge3A : i32
      %convert_element_type3A = arith.extui %ge3A_53 : i1 to i32
      %cond3A = arith.constant 0 : i32
      %cond3A_54 = arith.cmpi ne, %convert_element_type3A, %cond3A : i32
      scf.if %cond3A_54 {
        %sub3A = arith.constant 2 : i32
        %sub3A_123 = arith.subi %add3A_47, %sub3A : i32
        %mul3A_124 = arith.constant 80 : i32
        %mul3A_125 = arith.muli %sub3A_123, %mul3A_124 : i32
        %add3A_126 = arith.addi %mul3A_2, %mul3A_125 : i32
        %dma_wait3A_127 = arith.constant 0 : i32
        %dma_wait3A_128 = tpu.memref_slice %arg5[%add3A_126, %dma_wait3A_127] : memref<3276800x300xf32, #tpu.memory_space<hbm>> -> memref<80x300xf32, #tpu.memory_space<hbm>>
        %dma_wait3A_129 = arith.constant 0 : i32
        %dma_wait3A_130 = tpu.memref_slice %arg5[%add3A_126, %dma_wait3A_129] : memref<3276800x300xf32, #tpu.memory_space<hbm>> -> memref<80x300xf32, #tpu.memory_space<hbm>>
        tpu.wait_dma2 semaphore(%arg17 : memref<!tpu.dma_semaphore, #tpu.memory_space<semaphore_mem>>) src(%arg9 : memref<80x300xf32, #tpu.memory_space<vmem>>) dst(%dma_wait3A_130 : memref<80x300xf32, #tpu.memory_space<hbm>>)
      } else {
      }
      %dma_start3A_55 = arith.constant 0 : i32
      %dma_start3A_56 = arith.constant 0 : i32
      %dma_start3A_57 = tpu.memref_slice %arg9[%dma_start3A_55, %dma_start3A_56] : memref<80x300xf32, #tpu.memory_space<vmem>> -> memref<80x256xf32, #tpu.memory_space<vmem>>
      %dma_start3A_58 = arith.constant 0 : i32
      %dma_start3A_59 = arith.constant 0 : i32
      %dma_start3A_60 = tpu.memref_slice %arg3[%dma_start3A_58, %dma_start3A_59] : memref<100000x256xf32, #tpu.memory_space<hbm>> -> memref<100000x256xf32, #tpu.memory_space<hbm>>
      tpu.enqueue_indirect_dma source(%dma_start3A_60 : memref<100000x256xf32, #tpu.memory_space<hbm>>) target(%dma_start3A_57 : memref<80x256xf32, #tpu.memory_space<vmem>>) offsets(%arg7 : memref<80xi32, #tpu.memory_space<vmem>>) semaphore(%arg13 : memref<!tpu.dma_semaphore, #tpu.memory_space<semaphore_mem>>)
      %dma_start3A_61 = arith.constant 0 : i32
      %dma_start3A_62 = arith.constant 0 : i32
      %dma_start3A_63 = tpu.memref_slice %arg4[%dma_start3A_61, %dma_start3A_62] : memref<100000x128xf32, #tpu.memory_space<hbm>> -> memref<100000x128xf32, #tpu.memory_space<hbm>>
      tpu.enqueue_indirect_dma source(%dma_start3A_63 : memref<100000x128xf32, #tpu.memory_space<hbm>>) target(%arg11 : memref<80x128xf32, #tpu.memory_space<vmem>>) offsets(%arg7 : memref<80xi32, #tpu.memory_space<vmem>>) semaphore(%arg13 : memref<!tpu.dma_semaphore, #tpu.memory_space<semaphore_mem>>)
      %dma_wait3A_64 = arith.constant 0 : i32
      %dma_wait3A_65 = arith.constant 0 : i32
      %dma_wait3A_66 = tpu.memref_slice %arg8[%dma_wait3A_64, %dma_wait3A_65] : memref<80x300xf32, #tpu.memory_space<vmem>> -> memref<80x256xf32, #tpu.memory_space<vmem>>
      %dma_wait3A_67 = arith.constant 0 : i32
      %dma_wait3A_68 = arith.constant 0 : i32
      %dma_wait3A_69 = tpu.memref_slice %arg3[%dma_wait3A_67, %dma_wait3A_68] : memref<100000x256xf32, #tpu.memory_space<hbm>> -> memref<100000x256xf32, #tpu.memory_space<hbm>>
      tpu.wait_indirect_dma semaphore(%arg12 : memref<!tpu.dma_semaphore, #tpu.memory_space<semaphore_mem>>) src(%dma_wait3A_69 : memref<100000x256xf32, #tpu.memory_space<hbm>>) dst(%dma_wait3A_66 : memref<80x256xf32, #tpu.memory_space<vmem>>)
      %dma_wait3A_70 = arith.constant 0 : i32
      %dma_wait3A_71 = arith.constant 0 : i32
      %dma_wait3A_72 = tpu.memref_slice %arg4[%dma_wait3A_70, %dma_wait3A_71] : memref<100000x128xf32, #tpu.memory_space<hbm>> -> memref<100000x128xf32, #tpu.memory_space<hbm>>
      tpu.wait_indirect_dma semaphore(%arg12 : memref<!tpu.dma_semaphore, #tpu.memory_space<semaphore_mem>>) src(%dma_wait3A_72 : memref<100000x128xf32, #tpu.memory_space<hbm>>) dst(%arg10 : memref<80x128xf32, #tpu.memory_space<vmem>>)
      %add3A_73 = arith.constant 2 : i32
      %add3A_74 = arith.addi %add3A_45, %add3A_73 : i32
      %lt3A = arith.constant 1280 : i32
      %lt3A_75 = arith.cmpi slt, %add3A_74, %lt3A : i32
      %convert_element_type3A_76 = arith.extui %lt3A_75 : i1 to i32
      %cond3A_77 = arith.constant 0 : i32
      %cond3A_78 = arith.cmpi ne, %convert_element_type3A_76, %cond3A_77 : i32
      scf.if %cond3A_78 {
        %add3A_123 = arith.constant 2 : i32
        %add3A_124 = arith.addi %add3A_45, %add3A_123 : i32
        %mul3A_125 = arith.constant 80 : i32
        %mul3A_126 = arith.muli %add3A_124, %mul3A_125 : i32
        %add3A_127 = arith.addi %mul3A_2, %mul3A_126 : i32
        %dma_start3A_128 = tpu.memref_slice %arg2[%add3A_127] : memref<3276800xi32, #tpu.memory_space<hbm>> -> memref<80xi32, #tpu.memory_space<hbm>>
        %dma_start3A_129 = tpu.memref_slice %arg2[%add3A_127] : memref<3276800xi32, #tpu.memory_space<hbm>> -> memref<80xi32, #tpu.memory_space<hbm>>
        tpu.enqueue_dma source(%dma_start3A_129 : memref<80xi32, #tpu.memory_space<hbm>>) target(%arg6 : memref<80xi32, #tpu.memory_space<vmem>>) target_semaphore(%arg14 : memref<!tpu.dma_semaphore, #tpu.memory_space<semaphore_mem>>)
      } else {
      }
      %parallel_loop3A = arith.constant 0 : i32
      %parallel_loop3A_79 = arith.constant 80 : i32
      %parallel_loop3A_80 = arith.constant 1 : i32
      scf.for %parallel_loop3A_123 = %parallel_loop3A to %parallel_loop3A_79 step %parallel_loop3A_80  : i32 {
        %parallel_loop3A_124 = arith.index_cast %parallel_loop3A_123 : i32 to index
        %parallel_loop3A_125 = arith.constant 80 : index
        %parallel_loop3A_126 = tpu.vector_load %arg10[%parallel_loop3A_124, %parallel_loop3A_125] {strides = array<i32>} : memref<80x128xf32, #tpu.memory_space<vmem>>, vector<16xf32>,
        %parallel_loop3A_127 = arith.index_cast %parallel_loop3A_123 : i32 to index
        %parallel_loop3A_128 = arith.constant 256 : index
        %parallel_loop3A_129 = tpu.vector_load %arg8[%parallel_loop3A_127, %parallel_loop3A_128] {strides = array<i32>} : memref<80x300xf32, #tpu.memory_space<vmem>>, vector<16xf32>,
        tpu.vector_store %arg8[%parallel_loop3A_127, %parallel_loop3A_128], %parallel_loop3A_126 {strides = array<i32>} : memref<80x300xf32, #tpu.memory_space<vmem>>, vector<16xf32>,
        %parallel_loop3A_130 = arith.index_cast %parallel_loop3A_123 : i32 to index
        %parallel_loop3A_131 = arith.constant 96 : index
        %parallel_loop3A_132 = tpu.vector_load %arg10[%parallel_loop3A_130, %parallel_loop3A_131] {strides = array<i32>} : memref<80x128xf32, #tpu.memory_space<vmem>>, vector<16xf32>,
        %parallel_loop3A_133 = arith.index_cast %parallel_loop3A_123 : i32 to index
        %parallel_loop3A_134 = arith.constant 272 : index
        %parallel_loop3A_135 = tpu.vector_load %arg8[%parallel_loop3A_133, %parallel_loop3A_134] {strides = array<i32>} : memref<80x300xf32, #tpu.memory_space<vmem>>, vector<16xf32>,
        tpu.vector_store %arg8[%parallel_loop3A_133, %parallel_loop3A_134], %parallel_loop3A_132 {strides = array<i32>} : memref<80x300xf32, #tpu.memory_space<vmem>>, vector<16xf32>,
        %parallel_loop3A_136 = vector.broadcast %parallel_loop3A_123 : i32 to vector<16xi32>
        %parallel_loop3A_137 = arith.index_cast %parallel_loop3A_123 : i32 to index
        %parallel_loop3A_138 = arith.constant 108 : index
        %parallel_loop3A_139 = tpu.vector_load %arg10[%parallel_loop3A_137, %parallel_loop3A_138] {strides = array<i32>} : memref<80x128xf32, #tpu.memory_space<vmem>>, vector<16xf32>,
        tpu.vector_store_idx %arg8[%parallel_loop3A_136, %add3A_5], %parallel_loop3A_139 : memref<80x300xf32, #tpu.memory_space<vmem>>[vector<16xi32>, vector<16xi32>], vector<16xf32>,
      } {sc.loop_unroll_factor = 8 : i64, sc.parallel_access}
      %mul3A_81 = arith.constant 80 : i32
      %mul3A_82 = arith.muli %add3A_45, %mul3A_81 : i32
      %add3A_83 = arith.addi %mul3A_2, %mul3A_82 : i32
      %dma_start3A_84 = arith.constant 0 : i32
      %dma_start3A_85 = tpu.memref_slice %arg5[%add3A_83, %dma_start3A_84] : memref<3276800x300xf32, #tpu.memory_space<hbm>> -> memref<80x300xf32, #tpu.memory_space<hbm>>
      %dma_start3A_86 = arith.constant 0 : i32
      %dma_start3A_87 = tpu.memref_slice %arg5[%add3A_83, %dma_start3A_86] : memref<3276800x300xf32, #tpu.memory_space<hbm>> -> memref<80x300xf32, #tpu.memory_space<hbm>>
      tpu.enqueue_dma source(%arg8 : memref<80x300xf32, #tpu.memory_space<vmem>>) target(%dma_start3A_87 : memref<80x300xf32, #tpu.memory_space<hbm>>) target_semaphore(%arg16 : memref<!tpu.dma_semaphore, #tpu.memory_space<semaphore_mem>>)
      %add3A_88 = arith.constant 2 : i32
      %add3A_89 = arith.addi %add3A_45, %add3A_88 : i32
      %lt3A_90 = arith.constant 1280 : i32
      %lt3A_91 = arith.cmpi slt, %add3A_89, %lt3A_90 : i32
      %convert_element_type3A_92 = arith.extui %lt3A_91 : i1 to i32
      %cond3A_93 = arith.constant 0 : i32
      %cond3A_94 = arith.cmpi ne, %convert_element_type3A_92, %cond3A_93 : i32
      scf.if %cond3A_94 {
        %add3A_123 = arith.constant 2 : i32
        %add3A_124 = arith.addi %add3A_45, %add3A_123 : i32
        %mul3A_125 = arith.constant 80 : i32
        %mul3A_126 = arith.muli %add3A_124, %mul3A_125 : i32
        %add3A_127 = arith.addi %mul3A_2, %mul3A_126 : i32
        %dma_wait3A_128 = tpu.memref_slice %arg2[%add3A_127] : memref<3276800xi32, #tpu.memory_space<hbm>> -> memref<80xi32, #tpu.memory_space<hbm>>
        %dma_wait3A_129 = tpu.memref_slice %arg2[%add3A_127] : memref<3276800xi32, #tpu.memory_space<hbm>> -> memref<80xi32, #tpu.memory_space<hbm>>
        tpu.wait_dma2 semaphore(%arg14 : memref<!tpu.dma_semaphore, #tpu.memory_space<semaphore_mem>>) src(%dma_wait3A_129 : memref<80xi32, #tpu.memory_space<hbm>>) dst(%arg6 : memref<80xi32, #tpu.memory_space<vmem>>)
        %ge3A_130 = arith.constant 2 : i32
        %ge3A_131 = arith.cmpi sge, %add3A_124, %ge3A_130 : i32
        %convert_element_type3A_132 = arith.extui %ge3A_131 : i1 to i32
        %cond3A_133 = arith.constant 0 : i32
        %cond3A_134 = arith.cmpi ne, %convert_element_type3A_132, %cond3A_133 : i32
        scf.if %cond3A_134 {
          %sub3A = arith.constant 2 : i32
          %sub3A_144 = arith.subi %add3A_124, %sub3A : i32
          %mul3A_145 = arith.constant 80 : i32
          %mul3A_146 = arith.muli %sub3A_144, %mul3A_145 : i32
          %add3A_147 = arith.addi %mul3A_2, %mul3A_146 : i32
          %dma_wait3A_148 = arith.constant 0 : i32
          %dma_wait3A_149 = tpu.memref_slice %arg5[%add3A_147, %dma_wait3A_148] : memref<3276800x300xf32, #tpu.memory_space<hbm>> -> memref<80x300xf32, #tpu.memory_space<hbm>>
          %dma_wait3A_150 = arith.constant 0 : i32
          %dma_wait3A_151 = tpu.memref_slice %arg5[%add3A_147, %dma_wait3A_150] : memref<3276800x300xf32, #tpu.memory_space<hbm>> -> memref<80x300xf32, #tpu.memory_space<hbm>>
          tpu.wait_dma2 semaphore(%arg16 : memref<!tpu.dma_semaphore, #tpu.memory_space<semaphore_mem>>) src(%arg8 : memref<80x300xf32, #tpu.memory_space<vmem>>) dst(%dma_wait3A_151 : memref<80x300xf32, #tpu.memory_space<hbm>>)
        } else {
        }
        %dma_start3A_135 = arith.constant 0 : i32
        %dma_start3A_136 = arith.constant 0 : i32
        %dma_start3A_137 = tpu.memref_slice %arg8[%dma_start3A_135, %dma_start3A_136] : memref<80x300xf32, #tpu.memory_space<vmem>> -> memref<80x256xf32, #tpu.memory_space<vmem>>
        %dma_start3A_138 = arith.constant 0 : i32
        %dma_start3A_139 = arith.constant 0 : i32
        %dma_start3A_140 = tpu.memref_slice %arg3[%dma_start3A_138, %dma_start3A_139] : memref<100000x256xf32, #tpu.memory_space<hbm>> -> memref<100000x256xf32, #tpu.memory_space<hbm>>
        tpu.enqueue_indirect_dma source(%dma_start3A_140 : memref<100000x256xf32, #tpu.memory_space<hbm>>) target(%dma_start3A_137 : memref<80x256xf32, #tpu.memory_space<vmem>>) offsets(%arg6 : memref<80xi32, #tpu.memory_space<vmem>>) semaphore(%arg12 : memref<!tpu.dma_semaphore, #tpu.memory_space<semaphore_mem>>)
        %dma_start3A_141 = arith.constant 0 : i32
        %dma_start3A_142 = arith.constant 0 : i32
        %dma_start3A_143 = tpu.memref_slice %arg4[%dma_start3A_141, %dma_start3A_142] : memref<100000x128xf32, #tpu.memory_space<hbm>> -> memref<100000x128xf32, #tpu.memory_space<hbm>>
        tpu.enqueue_indirect_dma source(%dma_start3A_143 : memref<100000x128xf32, #tpu.memory_space<hbm>>) target(%arg10 : memref<80x128xf32, #tpu.memory_space<vmem>>) offsets(%arg6 : memref<80xi32, #tpu.memory_space<vmem>>) semaphore(%arg12 : memref<!tpu.dma_semaphore, #tpu.memory_space<semaphore_mem>>)
      } else {
      }
      %add3A_95 = arith.constant 1 : i32
      %add3A_96 = arith.addi %add3A_45, %add3A_95 : i32
      %dma_wait3A_97 = arith.constant 0 : i32
      %dma_wait3A_98 = arith.constant 0 : i32
      %dma_wait3A_99 = tpu.memref_slice %arg9[%dma_wait3A_97, %dma_wait3A_98] : memref<80x300xf32, #tpu.memory_space<vmem>> -> memref<80x256xf32, #tpu.memory_space<vmem>>
      %dma_wait3A_100 = arith.constant 0 : i32
      %dma_wait3A_101 = arith.constant 0 : i32
      %dma_wait3A_102 = tpu.memref_slice %arg3[%dma_wait3A_100, %dma_wait3A_101] : memref<100000x256xf32, #tpu.memory_space<hbm>> -> memref<100000x256xf32, #tpu.memory_space<hbm>>
      tpu.wait_indirect_dma semaphore(%arg13 : memref<!tpu.dma_semaphore, #tpu.memory_space<semaphore_mem>>) src(%dma_wait3A_102 : memref<100000x256xf32, #tpu.memory_space<hbm>>) dst(%dma_wait3A_99 : memref<80x256xf32, #tpu.memory_space<vmem>>)
      %dma_wait3A_103 = arith.constant 0 : i32
      %dma_wait3A_104 = arith.constant 0 : i32
      %dma_wait3A_105 = tpu.memref_slice %arg4[%dma_wait3A_103, %dma_wait3A_104] : memref<100000x128xf32, #tpu.memory_space<hbm>> -> memref<100000x128xf32, #tpu.memory_space<hbm>>
      tpu.wait_indirect_dma semaphore(%arg13 : memref<!tpu.dma_semaphore, #tpu.memory_space<semaphore_mem>>) src(%dma_wait3A_105 : memref<100000x128xf32, #tpu.memory_space<hbm>>) dst(%arg11 : memref<80x128xf32, #tpu.memory_space<vmem>>)
      %add3A_106 = arith.constant 2 : i32
      %add3A_107 = arith.addi %add3A_96, %add3A_106 : i32
      %lt3A_108 = arith.constant 1280 : i32
      %lt3A_109 = arith.cmpi slt, %add3A_107, %lt3A_108 : i32
      %convert_element_type3A_110 = arith.extui %lt3A_109 : i1 to i32
      %cond3A_111 = arith.constant 0 : i32
      %cond3A_112 = arith.cmpi ne, %convert_element_type3A_110, %cond3A_111 : i32
      scf.if %cond3A_112 {
        %add3A_123 = arith.constant 2 : i32
        %add3A_124 = arith.addi %add3A_96, %add3A_123 : i32
        %mul3A_125 = arith.constant 80 : i32
        %mul3A_126 = arith.muli %add3A_124, %mul3A_125 : i32
        %add3A_127 = arith.addi %mul3A_2, %mul3A_126 : i32
        %dma_start3A_128 = tpu.memref_slice %arg2[%add3A_127] : memref<3276800xi32, #tpu.memory_space<hbm>> -> memref<80xi32, #tpu.memory_space<hbm>>
        %dma_start3A_129 = tpu.memref_slice %arg2[%add3A_127] : memref<3276800xi32, #tpu.memory_space<hbm>> -> memref<80xi32, #tpu.memory_space<hbm>>
        tpu.enqueue_dma source(%dma_start3A_129 : memref<80xi32, #tpu.memory_space<hbm>>) target(%arg7 : memref<80xi32, #tpu.memory_space<vmem>>) target_semaphore(%arg15 : memref<!tpu.dma_semaphore, #tpu.memory_space<semaphore_mem>>)
      } else {
      }
      %parallel_loop3A_113 = arith.constant 0 : i32
      %parallel_loop3A_114 = arith.constant 80 : i32
      %parallel_loop3A_115 = arith.constant 1 : i32
      scf.for %parallel_loop3A_123 = %parallel_loop3A_113 to %parallel_loop3A_114 step %parallel_loop3A_115  : i32 {
        %parallel_loop3A_124 = arith.index_cast %parallel_loop3A_123 : i32 to index
        %parallel_loop3A_125 = arith.constant 80 : index
        %parallel_loop3A_126 = tpu.vector_load %arg11[%parallel_loop3A_124, %parallel_loop3A_125] {strides = array<i32>} : memref<80x128xf32, #tpu.memory_space<vmem>>, vector<16xf32>,
        %parallel_loop3A_127 = arith.index_cast %parallel_loop3A_123 : i32 to index
        %parallel_loop3A_128 = arith.constant 256 : index
        %parallel_loop3A_129 = tpu.vector_load %arg9[%parallel_loop3A_127, %parallel_loop3A_128] {strides = array<i32>} : memref<80x300xf32, #tpu.memory_space<vmem>>, vector<16xf32>,
        tpu.vector_store %arg9[%parallel_loop3A_127, %parallel_loop3A_128], %parallel_loop3A_126 {strides = array<i32>} : memref<80x300xf32, #tpu.memory_space<vmem>>, vector<16xf32>,
        %parallel_loop3A_130 = arith.index_cast %parallel_loop3A_123 : i32 to index
        %parallel_loop3A_131 = arith.constant 96 : index
        %parallel_loop3A_132 = tpu.vector_load %arg11[%parallel_loop3A_130, %parallel_loop3A_131] {strides = array<i32>} : memref<80x128xf32, #tpu.memory_space<vmem>>, vector<16xf32>,
        %parallel_loop3A_133 = arith.index_cast %parallel_loop3A_123 : i32 to index
        %parallel_loop3A_134 = arith.constant 272 : index
        %parallel_loop3A_135 = tpu.vector_load %arg9[%parallel_loop3A_133, %parallel_loop3A_134] {strides = array<i32>} : memref<80x300xf32, #tpu.memory_space<vmem>>, vector<16xf32>,
        tpu.vector_store %arg9[%parallel_loop3A_133, %parallel_loop3A_134], %parallel_loop3A_132 {strides = array<i32>} : memref<80x300xf32, #tpu.memory_space<vmem>>, vector<16xf32>,
        %parallel_loop3A_136 = vector.broadcast %parallel_loop3A_123 : i32 to vector<16xi32>
        %parallel_loop3A_137 = arith.index_cast %parallel_loop3A_123 : i32 to index
        %parallel_loop3A_138 = arith.constant 108 : index
        %parallel_loop3A_139 = tpu.vector_load %arg11[%parallel_loop3A_137, %parallel_loop3A_138] {strides = array<i32>} : memref<80x128xf32, #tpu.memory_space<vmem>>, vector<16xf32>,
        tpu.vector_store_idx %arg9[%parallel_loop3A_136, %add3A_5], %parallel_loop3A_139 : memref<80x300xf32, #tpu.memory_space<vmem>>[vector<16xi32>, vector<16xi32>], vector<16xf32>,
      } {sc.loop_unroll_factor = 8 : i64, sc.parallel_access}
      %mul3A_116 = arith.constant 80 : i32
      %mul3A_117 = arith.muli %add3A_96, %mul3A_116 : i32
      %add3A_118 = arith.addi %mul3A_2, %mul3A_117 : i32
      %dma_start3A_119 = arith.constant 0 : i32
      %dma_start3A_120 = tpu.memref_slice %arg5[%add3A_118, %dma_start3A_119] : memref<3276800x300xf32, #tpu.memory_space<hbm>> -> memref<80x300xf32, #tpu.memory_space<hbm>>
      %dma_start3A_121 = arith.constant 0 : i32
      %dma_start3A_122 = tpu.memref_slice %arg5[%add3A_118, %dma_start3A_121] : memref<3276800x300xf32, #tpu.memory_space<hbm>> -> memref<80x300xf32, #tpu.memory_space<hbm>>
      tpu.enqueue_dma source(%arg9 : memref<80x300xf32, #tpu.memory_space<vmem>>) target(%dma_start3A_122 : memref<80x300xf32, #tpu.memory_space<hbm>>) target_semaphore(%arg17 : memref<!tpu.dma_semaphore, #tpu.memory_space<semaphore_mem>>)
    }
    %scan3A_28 = arith.constant 640 : i32
    %add3A_29 = arith.constant 102240 : i32
    %add3A_30 = arith.addi %mul3A_2, %add3A_29 : i32
    %dma_wait3A_31 = arith.constant 0 : i32
    %dma_wait3A_32 = tpu.memref_slice %arg5[%add3A_30, %dma_wait3A_31] : memref<3276800x300xf32, #tpu.memory_space<hbm>> -> memref<80x300xf32, #tpu.memory_space<hbm>>
    %dma_wait3A_33 = arith.constant 0 : i32
    %dma_wait3A_34 = tpu.memref_slice %arg5[%add3A_30, %dma_wait3A_33] : memref<3276800x300xf32, #tpu.memory_space<hbm>> -> memref<80x300xf32, #tpu.memory_space<hbm>>
    tpu.wait_dma2 semaphore(%arg16 : memref<!tpu.dma_semaphore, #tpu.memory_space<semaphore_mem>>) src(%arg8 : memref<80x300xf32, #tpu.memory_space<vmem>>) dst(%dma_wait3A_34 : memref<80x300xf32, #tpu.memory_space<hbm>>)
    %add3A_35 = arith.constant 102320 : i32
    %add3A_36 = arith.addi %mul3A_2, %add3A_35 : i32
    %dma_wait3A_37 = arith.constant 0 : i32
    %dma_wait3A_38 = tpu.memref_slice %arg5[%add3A_36, %dma_wait3A_37] : memref<3276800x300xf32, #tpu.memory_space<hbm>> -> memref<80x300xf32, #tpu.memory_space<hbm>>
    %dma_wait3A_39 = arith.constant 0 : i32
    %dma_wait3A_40 = tpu.memref_slice %arg5[%add3A_36, %dma_wait3A_39] : memref<3276800x300xf32, #tpu.memory_space<hbm>> -> memref<80x300xf32, #tpu.memory_space<hbm>>
    tpu.wait_dma2 semaphore(%arg17 : memref<!tpu.dma_semaphore, #tpu.memory_space<semaphore_mem>>) src(%arg9 : memref<80x300xf32, #tpu.memory_space<vmem>>) dst(%dma_wait3A_40 : memref<80x300xf32, #tpu.memory_space<hbm>>)
    return
  }
}

</mosaic_0001>

<sc_bundles>
// kernel: kernel.3.cloned.1.call-start
scs
__scs_entry_jumppad:
0x0: {  	(pc) =	sbr.rel $0x88, $3  }
0x1: {  	(tag) =	ssettag $0x0;
	lr =	simm.s32 $0x1  }
0x2: {  	[smem:$0x3F9F] =	sst lr;
	_ =	strace $0xD0000000  }
0x3: {  	_ = 	snop  }
0x4: {  	_ = 	snop  }
0x5: {  	_ = 	snop  }
0x6: {  	_ = 	snop  }
0x7: {  	_ = 	snop  }
__scs_overlays_trampoline_lowered:
0x8: {  	[smem:$0x3FAE] =	sst s0  }
0x9: {  	[smem:$0x3FAF] =	sst s1  }
0xa: {  	[smem:$0x3FB0] =	sst s2  }
0xb: {  	[smem:$0x3FB1] =	sst s3  }
0xc: {  	[smem:$0x3FB2] =	sst s4  }
0xd: {  	[smem:$0x3FB3] =	sst s5  }
0xe: {  	[smem:$0x3FB4] =	sst s6  }
0xf: {  	[smem:$0x3FB5] =	sst s7  }
0x10: {  	[smem:$0x3FB6] =	sst s8  }
0x11: {  	[smem:$0x3FB7] =	sst s9;
	s0 =	simm.s32 @!p0 $0x0  }
0x12: {  	s1 =	sld [smem:$0x3F9D];
	s0 =	simm.s32 @p0 $0x1  }
0x13: {  	[smem:$0x3FB8] =	sst s0;
	s0 =	simm.s32 @!p1 $0x0  }
0x14: {  	s2 =	sld [smem:$0x3F9C];
	s0 =	simm.s32 @p1 $0x1  }
0x15: {  	[smem:$0x3FB9] =	sst s0;
	s0 =	simm.s32 @!p2 $0x0  }
0x16: {  	s3 =	sld [smem:$0x3FDB];
	s0 =	simm.s32 @p2 $0x1  }
0x17: {  	s4 =	simm.s32 $0x1BF5;
	[smem:$0x3FBB] =	sst s0  }
0x18: {  	s0 =	sld [smem:$0x3F9E];
	_ =	swait.ge [sflag:s4], $0x0  }
0x19: {  	s7 =	sld [smem:$0x3F9F]  }
0x1a: {  	s8 =	sadd.s32 $0xFFFFE003, lr  }
0x1b: {  	s9 =	sadd.s32 $0xFFFFFEF7, lr;
	s5 =	simm.s32 $0xFFFFFFFF;
	p2 =	slt.u32 s8, $0xFFFFF086  }
0x1c: {  	p1 =	slt.u32 s9, $0xF7A;
	s5 =	simm.s32 @!p2 $0x0  }
0x1d: {  	s5 =	simm.s32 @p1 $0x1;
	p0 =	seq.s32 s7, s2  }
0x1e: {  	s7 =	smul.u32 @!p0 $0xF7A, s2;
	p2 =	seq.s32 @!p0 s5, $0x0  }
0x1f: {  	s9 =	smul.u32 $0xF7A, s1;
	s8 =	simm.s32 @!p0 $0x1BF5;
	p2 =	por !p2, p0  }
0x20: {  	[sflag:s8] =	ssyncset.s32 @!p0 $0xFFFFF086;
	s6 =	sadd.s32 @!p0 s3, s7;
	s7 =	simm.s32 @!p0 $0x108  }
0x21: {  	s3 =	sadd.s32 s3, s9;
	s6 =	sadd.s32 @!p0 $0x88, s6;
	s7 =	simm.s32 @p2 $0x1082  }
0x22: {  	[simem:s7], [sflag:s8] =	dma.local @!p0 [hbm:s6], $0xF7A  }
0x23: {  	s9 =	sor.u32 $0xD0000000, s2;
	s6 =	simm.s32 $0x108;
	_ =	swait.ge @!p0 [sflag:s8], $0x0  }
0x24: {  	s3 =	sadd.s32 $0x88, s3;
	s6 =	simm.s32 @!p1 $0x1082;
	[sflag:s4] =	ssyncset.s32 $0xFFFFF086  }
0x25: {  	[simem:s6], [sflag:s4] =	dma.local [hbm:s3], $0xF7A  }
0x26: {  	[smem:$0x3F9F] =	sst s1;
	(tag) =	ssettag s2;
	_ =	strace s9  }
0x27: {  	s1 =	sld [smem:$0x3FAF]  }
0x28: {  	s2 =	sld [smem:$0x3FB0]  }
0x29: {  	s4 =	sld [smem:$0x3FB2]  }
0x2a: {  	p0 =	seq.s32 s5, $0x0;
	s5 =	sld [smem:$0x3FB3]  }
0x2b: {  	s6 =	sld [smem:$0x3FB4]  }
0x2c: {  	s7 =	sld [smem:$0x3FB5]  }
0x2d: {  	s3 =	simm.s32 $0x108;
	s8 =	sld [smem:$0x3FB6]  }
0x2e: {  	s3 =	simm.s32 @!p0 $0x1082;
	s9 =	sld [smem:$0x3FB7]  }
0x2f: {  	lr =	sadd.s32 s0, s3;
	s0 =	sld [smem:$0x3FAE]  }
0x30: {  	s3 =	sld [smem:$0x3FB1]  }
0x31: {  	[smem:$0x3FBA] =	sst s10  }
0x32: {  	s10 =	sld [smem:$0x3FB8];
	_ =	sdelay $0x3  }
0x33: {  	p0 =	seq.s32 s10, $0x1;
	s10 =	sld [smem:$0x3FBA];
	_ =	sdelay $0x3  }
0x34: {  	[smem:$0x3FBA] =	sst s10  }
0x35: {  	s10 =	sld [smem:$0x3FB9];
	_ =	sdelay $0x3  }
0x36: {  	p1 =	seq.s32 s10, $0x1;
	s10 =	sld [smem:$0x3FBA];
	_ =	sdelay $0x3  }
0x37: {  	[smem:$0x3FBA] =	sst s10  }
0x38: {  	s10 =	sld [smem:$0x3FBB]  }
0x39: {  	_ = 	snop;
	(pc) =	sbr.ind lr, $3  }
0x3a: {  	_ = 	snop  }
0x3b: {  	_ = 	snop  }
0x3c: {  	p2 =	seq.s32 s10, $0x1;
	s10 =	sld [smem:$0x3FBA]  }
0x3d: {  	_ =	shalt  }
0x3e: {  	_ =	shalt  }
0x3f: {  	_ =	shalt  }
0x40: {  	_ =	shalt  }
0x41: {  	_ =	shalt  }
0x42: {  	_ =	shalt  }
0x43: {  	_ =	shalt  }
0x44: {  	_ =	shalt  }
0x45: {  	_ =	shalt  }
0x46: {  	_ =	shalt  }
0x47: {  	_ =	shalt  }
0x48: {  	_ =	shalt  }
0x49: {  	_ =	shalt  }
0x4a: {  	_ =	shalt  }
0x4b: {  	_ =	shalt  }
0x4c: {  	_ =	shalt  }
0x4d: {  	_ =	shalt  }
0x4e: {  	_ =	shalt  }
0x4f: {  	_ =	shalt  }
0x50: {  	_ =	shalt  }
0x51: {  	_ =	shalt  }
0x52: {  	_ =	shalt  }
0x53: {  	_ =	shalt  }
0x54: {  	_ =	shalt  }
0x55: {  	_ =	shalt  }
0x56: {  	_ =	shalt  }
0x57: {  	_ =	shalt  }
0x58: {  	_ =	shalt  }
0x59: {  	_ =	shalt  }
0x5a: {  	_ =	shalt  }
0x5b: {  	_ =	shalt  }
0x5c: {  	_ =	shalt  }
0x5d: {  	_ =	shalt  }
0x5e: {  	_ =	shalt  }
0x5f: {  	_ =	shalt  }
0x60: {  	_ =	shalt  }
0x61: {  	_ =	shalt  }
0x62: {  	_ =	shalt  }
0x63: {  	_ =	shalt  }
0x64: {  	_ =	shalt  }
0x65: {  	_ =	shalt  }
0x66: {  	_ =	shalt  }
0x67: {  	_ =	shalt  }
0x68: {  	_ =	shalt  }
0x69: {  	_ =	shalt  }
0x6a: {  	_ =	shalt  }
0x6b: {  	_ =	shalt  }
0x6c: {  	_ =	shalt  }
0x6d: {  	_ =	shalt  }
0x6e: {  	_ =	shalt  }
0x6f: {  	_ =	shalt  }
0x70: {  	_ =	shalt  }
0x71: {  	_ =	shalt  }
0x72: {  	_ =	shalt  }
0x73: {  	_ =	shalt  }
0x74: {  	_ =	shalt  }
0x75: {  	_ =	shalt  }
0x76: {  	_ =	shalt  }
0x77: {  	_ =	shalt  }
0x78: {  	_ =	shalt  }
0x79: {  	_ =	shalt  }
0x7a: {  	_ =	shalt  }
0x7b: {  	_ =	shalt  }
0x7c: {  	_ =	shalt  }
0x7d: {  	_ =	shalt  }
0x7e: {  	_ =	shalt  }
0x7f: {  	_ =	shalt  }
0x80: {  	_ =	shalt  }
0x81: {  	_ =	shalt  }
0x82: {  	_ =	shalt  }
0x83: {  	_ =	shalt  }
0x84: {  	_ =	shalt  }
0x85: {  	_ =	shalt  }
0x86: {  	_ =	shalt  }
0x87: {  	_ =	shalt  }
.Lfunc_end0:
.L_simem_size_0:
called_computation.2_lowered:
.L_overlay_start_0:
0x88: {  	s2 =	sld [smem:$0x3FD9]  }
0x89: {  	s3 =	sld [smem:$0x3FFE];
	_ =	sdelay $0x1  }
0x8a: {  	s1 =	srdreg.scid  }
0x8b: {  	s0 =	sand.u32 $0x1, s1  }
0x8c: {  	s17 =	sshll.u32 s0, $0xA;
	s2 =	sadd.s32 s3, s2  }
0x8d: {  	s2 =	sadd.s32 s2, s17  }
0x8e: {  	[smem:$0x3FC6] =	sst s2  }
0x8f: {  	_ = 	snop  }
0x90: {  	s2 =	sld [smem:$0x3FD0];
	(tm) =	ssettm $0x1  }
0x91: {  	s18 =	sld [smem:$0x3FFB];
	_ =	sdelay $0x3  }
0x92: {  	_ =	strace s18  }
0x93: {  	s3 =	sld [smem:$0x3FFC];
	_ =	sdelay $0x3  }
0x94: {  	_ =	strace s3  }
0x95: {  	s3 =	sld [smem:$0x3FFD];
	_ =	sdelay $0x3  }
0x96: {  	_ =	strace s3  }
0x97: {  	_ =	strace $0x8FFFFFFF  }
0x98: {  	s19 =	sld [smem:$0x3FDB];
	_ =	sdelay $0x1  }
0x99: {  	s4 =	simm.s32 $_scs_section_size  }
0x9a: {  	s5 =	simm.s32 $_size__tile_overlayer_lowered;
	s6 =	simm.s32 $_tile_overlayer_lowered  }
0x9b: {  	s22 =	simm.s32 $0x1BFF;
	s21 =	sshll.u32 s6, $0x1;
	s3 =	sadd.s32 s4, s19  }
0x9c: {  	s7 =	simm.s32 $0x0;
	s20 =	sshll.u32 s5, $0x1;
	s5 =	sadd.s32 s21, s3  }
0x9d: {  	[timem:s7], [sflag:s22] =	dma.local [hbm:s5], s20  }
0x9e: {  	_ =	swait.ge [sflag:s22], s20  }
0x9f: {  	s4 =	ssub.s32 $0x0, s20;
	[sflag:s22] =	ssyncset.done $0x0  }
0xa0: {  	[sflag:s22] =	ssyncadd.s32 s4;
	_ =	sdelay $0x1  }
0xa1: {  	s23 =	simm.s32 $0x1B8B  }
0xa2: {  	_ =	swait.ge [sflag:s23], $0x1  }
0xa3: {  	[sflag:s23] =	ssyncset.done $0x0  }
0xa4: {  	s25 =	simm.s32 $0x1B8E;
	s24 =	sld [smem:$0x3FFE];
	[sflag:s23] =	ssyncadd.s32 $0xFFFFFFFF  }
0xa5: {  	s26 =	simm.s32 $execute0_lowered;
	[smem:$0x3FD2] =	sst s25  }
0xa6: {  	s5 =	sshll.u32 s26, $0x1;
	_ =	strace $0x80000049;
	[dreg:$0x1] =	wrdreg $0xFFFFFFFF  }
0xa7: {  	s28 =	simm.s32 $_size_execute0_lowered;
	s3 =	sadd.s32 s3, s5;
	[dreg:$0x0] =	wrdreg $0x0  }
0xa8: {  	s5 =	sshll.u32 s28, $0x1;
	[dreg:$0x2] =	wrdreg s3  }
0xa9: {  	[dreg:$0x3] =	wrdreg s5  }
0xaa: {  	[dreg:$0x4] =	wrdreg $0xC0  }
0xab: {  	_ =	task [dreg:s7], $0x5FFFF  }
0xac: {  	[dreg:$0x1] =	wrdreg $0xFFFFFFFF  }
0xad: {  	[dreg:$0x0] =	wrdreg $0x60  }
0xae: {  	[dreg:$0x2] =	wrdreg s24  }
0xaf: {  	[dreg:$0x3] =	wrdreg s2  }
0xb0: {  	[dreg:$0x4] =	wrdreg $0x9  }
0xb1: {  	_ =	task.clear_ibuf [dreg:s7], $0x5FFFF;
	_ =	strace $0x90000049  }
0xb2: {  	s29 =	simm.s32 $0x9;
	_ =	strace $0x8000004B  }
0xb3: {  	_ =	swait.ge [sflag:s29], $0x1  }
0xb4: {  	[sflag:s29] =	ssyncadd.s32 $0xFFFFFFFF  }
0xb5: {  	_ =	strace $0x9000004B  }
0xb6: {  	_ =	sfence  }
0xb7: {  	s30 =	sld [smem:$0x0];
	_ =	sdelay $0x2  }
0xb8: {  	s31 =	sshll.u32 s1, $0xD;
	s1 =	sshrl.u32 s1, $0x2  }
0xb9: {  	s3 =	sand.u32 $0x4000, s31;
	s1 =	sadd.s32 s1, s30  }
0xba: {  	s0 =	sor.u32 s3, s0;
	s1 =	sshll.u32 s1, $0x11  }
0xbb: {  	s0 =	sor.u32 s1, s0  }
0xbc: {  	s0 =	sadd.s32 $0x8F2B, s0  }
0xbd: {  	[sflag:s0] =	ssyncadd.remote.s32 $0x1  }
0xbe: {  	_ =	sfence.sel $0xFFFF  }
0xbf: {  	[dreg:$0x0] =	wrdreg $0xFFFFFFFF;
	(pc) =	sbr.abs _section_cstart, $3  }
0xc0: {  	[dreg:$0x1] =	wrdreg $0xFFFFFFFF  }
0xc1: {  	_ =	task.clear_ibuf [dreg:s7], $0x2FFFF;
	_ =	strace $0x9FFFFFFF  }
0xc2: {  	(tm) =	ssettm $0x7FFFFFFF  }
0xc3: {  	_ =	shalt  }
tec
execute0_lowered:
.L_overlay_start_1:
0x0: {  	(tag) =	ssettag $0x1  }
0x1: {  	s0 =	rddreg [dreg:$0x0];
	s1 =	srdreg.scid  }
0x2: {  	s3 =	stileid.u32;
	s2 =	rddreg [dreg:$0x1]  }
0x3: {  	s14 =	simm.s32 $0x80;
	s15 =	simm.s32 $0x3;
	s16 =	simm.s32 $0x100  }
0x4: {  	s29 =	simm.s32 $0x4;
	s30 =	simm.s32 $0x7900;
	s17 =	simm.s32 $0xCD00  }
0x5: {  	s18 =	simm.s32 $0xD900;
	s19 =	simm.s32 $0xE500;
	s20 =	simm.s32 $0x11900  }
0x6: {  	s21 =	simm.s32 $0x1;
	s22 =	simm.s32 $0x2;
	s23 =	simm.s32 $0x5  }
0x7: {  	s1 =	sand.u32 $0x1, s1;
	s4 =	sshll.u32 s3, $0x1;
	s3 =	simm.s32 $0x0  }
0x8: {  	s5 =	sadd.s32 $0x30E800, s0;
	s6 =	sadd.s32 $0x372800, s0;
	s4 =	sor.u32 s1, s4  }
0x9: {  	[smem:$0x7FF] =	sst s3;
	s1 =	ssub.s32 $0x2, s1;
	s4 =	smul.u32 $0x19000, s4  }
0xa: {  	s7 =	sadd.s32 $0x67FC00, s0;
	_ =	strace $0x8000004A;
	s8 =	sshrl.u32 s1, $0x1  }
0xb: {  	s26 =	ssub.s32 s1, s8;
	s8 =	simm.s32 $0xC100;
	s31 =	sor.u32 $0xF0, s4  }
0xc: {  	s9 =	sshrl.u32 s4, $0x3;
	s0 =	smax.u32 s26, $0x1;
	[dreg:$0x5] =	wrdreg s31  }
0xd: {  	v3 =	vlaneseq.u32;
	s10 =	sor.u32 $0x50, s4;
	s28 =	sadd.s32 s5, s9;
	[dreg:$0x6] =	wrdreg s0  }
0xe: {  	vm0 =	vmmov $0xffff;
	v1 =	vshrl.u32 v3, $0x3;
	v0 =	vand.u32 $0x7, v3;
	s11 =	sor.u32 $0xA0, s4;
	[dreg:$0x3] =	wrdreg s28;
	s1 =	sadd.s32 $0xA, s28  }
0xf: {  	v2 =	vor.u32 $0x8, v3;
	v3 =	vadd.s32 $0x1C, v3;
	v1 =	vmul.u32 $0x8, v1;
	s26 =	simm.s32 $0x50;
	s9 =	simm.s32 $0x0;
	[dreg:$0x4] =	wrdreg s1  }
.LBB2_1:
0x10: {  	[dreg:$0x7] =	wrdreg s9  }
0x11: {  	s0 =	rddreg [dreg:$0x3]  }
0x12: {  	[tilespmem:s3], [sflag:$0x3] =	stream.linear.gather [hbm4b:s0+s3], $0x50, $0x38;
	[tilespmem:$0x14100] =	vst v63  }
0x13: {  	s25 =	rddreg [dreg:$0x4]  }
0x14: {  	[tilespmem:s14], [sflag:$0x4] =	stream.linear.gather [hbm4b:s25+s3], $0x50, $0x38;
	[tilespmem:$0x14100] =	vst v63  }
0x15: {  	_ =	swait.ge [sflag:s15], $0x50  }
0x16: {  	[sflag:s15] =	ssyncset.done $0x0  }
0x17: {  	[sflag:s15] =	ssyncadd.s32 $0xFFFFFFB0  }
0x18: {  	v4 =	vld [tilespmem:$0x0];
	_ =	sdelay $0x4  }
0x19: {  	v5 =	vshll.u32 v4, $0x1  }
0x1a: {  	v4 =	vand.u32 $0x7, v4;
	v5 =	vand.u32 $0xFFFFFFF0, v5  }
0x1b: {  	v4 =	vor.u32 v4, v5  }
0x1c: {  	v5 =	vperm.xlane v4, v0;
	_ =	sdelay $0x1  }
0x1d: {  	v4 =	vperm.xlane v4, v2;
	v5 =	vadd.s32 v1, v5;
	_ =	sdelay $0x1  }
0x1e: {  	v4 =	vadd.s32 v1, v4;
	_ =	sdelay $0x2  }
0x1f: {  	[tilespmem:s16], [sflag:$0x1] =	stream.indirect_vreg.gather [hbm4b:s6+s3], $0x80, v5, vm0, $0xb8;
	[tilespmem:$0x14100] =	vst v63  }
0x20: {  	s28 =	simm.s32 $0xD00  }
0x21: {  	[tilespmem:s28], [sflag:$0x1] =	stream.indirect_vreg.gather [hbm4b:s6+s3], $0x80, v4, vm0, $0xb8;
	[tilespmem:$0x14100] =	vst v63  }
0x22: {  	v4 =	vld [tilespmem:$0x10];
	_ =	sdelay $0x4  }
0x23: {  	v5 =	vshll.u32 v4, $0x1  }
0x24: {  	v4 =	vand.u32 $0x7, v4;
	v5 =	vand.u32 $0xFFFFFFF0, v5  }
0x25: {  	v4 =	vor.u32 v4, v5  }
0x26: {  	v5 =	vperm.xlane v4, v0;
	_ =	sdelay $0x1  }
0x27: {  	v4 =	vperm.xlane v4, v2;
	v5 =	vadd.s32 v1, v5;
	_ =	sdelay $0x1  }
0x28: {  	v4 =	vadd.s32 v1, v4;
	_ =	sdelay $0x1  }
0x29: {  	s31 =	simm.s32 $0x1900  }
0x2a: {  	[tilespmem:s31], [sflag:$0x1] =	stream.indirect_vreg.gather [hbm4b:s6+s3], $0x80, v5, vm0, $0xb8;
	[tilespmem:$0x14100] =	vst v63  }
0x2b: {  	s1 =	simm.s32 $0x2500  }
0x2c: {  	[tilespmem:s1], [sflag:$0x1] =	stream.indirect_vreg.gather [hbm4b:s6+s3], $0x80, v4, vm0, $0xb8;
	[tilespmem:$0x14100] =	vst v63  }
0x2d: {  	v4 =	vld [tilespmem:$0x20];
	_ =	sdelay $0x4  }
0x2e: {  	v5 =	vshll.u32 v4, $0x1  }
0x2f: {  	v4 =	vand.u32 $0x7, v4;
	v5 =	vand.u32 $0xFFFFFFF0, v5  }
0x30: {  	v4 =	vor.u32 v4, v5  }
0x31: {  	v5 =	vperm.xlane v4, v0;
	_ =	sdelay $0x1  }
0x32: {  	v4 =	vperm.xlane v4, v2;
	v5 =	vadd.s32 v1, v5;
	_ =	sdelay $0x1  }
0x33: {  	v4 =	vadd.s32 v1, v4;
	_ =	sdelay $0x1  }
0x34: {  	s9 =	simm.s32 $0x3100  }
0x35: {  	[tilespmem:s9], [sflag:$0x1] =	stream.indirect_vreg.gather [hbm4b:s6+s3], $0x80, v5, vm0, $0xb8;
	[tilespmem:$0x14100] =	vst v63  }
0x36: {  	s12 =	simm.s32 $0x3D00  }
0x37: {  	[tilespmem:s12], [sflag:$0x1] =	stream.indirect_vreg.gather [hbm4b:s6+s3], $0x80, v4, vm0, $0xb8;
	[tilespmem:$0x14100] =	vst v63  }
0x38: {  	v4 =	vld [tilespmem:$0x30];
	_ =	sdelay $0x4  }
0x39: {  	v5 =	vshll.u32 v4, $0x1  }
0x3a: {  	v4 =	vand.u32 $0x7, v4;
	v5 =	vand.u32 $0xFFFFFFF0, v5  }
0x3b: {  	v4 =	vor.u32 v4, v5  }
0x3c: {  	v5 =	vperm.xlane v4, v0;
	_ =	sdelay $0x1  }
0x3d: {  	v4 =	vperm.xlane v4, v2;
	v5 =	vadd.s32 v1, v5;
	_ =	sdelay $0x1  }
0x3e: {  	v4 =	vadd.s32 v1, v4;
	_ =	sdelay $0x1  }
0x3f: {  	s13 =	simm.s32 $0x4900  }
0x40: {  	[tilespmem:s13], [sflag:$0x1] =	stream.indirect_vreg.gather [hbm4b:s6+s3], $0x80, v5, vm0, $0xb8;
	[tilespmem:$0x14100] =	vst v63  }
0x41: {  	s24 =	simm.s32 $0x5500  }
0x42: {  	[tilespmem:s24], [sflag:$0x1] =	stream.indirect_vreg.gather [hbm4b:s6+s3], $0x80, v4, vm0, $0xb8;
	[tilespmem:$0x14100] =	vst v63  }
0x43: {  	v4 =	vld [tilespmem:$0x40];
	_ =	sdelay $0x4  }
0x44: {  	v5 =	vshll.u32 v4, $0x1  }
0x45: {  	v4 =	vand.u32 $0x7, v4;
	v5 =	vand.u32 $0xFFFFFFF0, v5  }
0x46: {  	v4 =	vor.u32 v4, v5  }
0x47: {  	v5 =	vperm.xlane v4, v0;
	_ =	sdelay $0x1  }
0x48: {  	v4 =	vperm.xlane v4, v2;
	v5 =	vadd.s32 v1, v5;
	_ =	sdelay $0x1  }
0x49: {  	v4 =	vadd.s32 v1, v4;
	_ =	sdelay $0x1  }
0x4a: {  	s25 =	simm.s32 $0x6100  }
0x4b: {  	[tilespmem:s25], [sflag:$0x1] =	stream.indirect_vreg.gather [hbm4b:s6+s3], $0x80, v5, vm0, $0xb8;
	[tilespmem:$0x14100] =	vst v63  }
0x4c: {  	s28 =	simm.s32 $0x6D00  }
0x4d: {  	[tilespmem:s28], [sflag:$0x1] =	stream.indirect_vreg.gather [hbm4b:s6+s3], $0x80, v4, vm0, $0xb8;
	[tilespmem:$0x14100] =	vst v63  }
0x4e: {  	s31 =	simm.s32 $0xF100;
	s24 =	simm.s32 $0x0  }
0x4f: {  	[tilespmem:s31], [sflag:$0x1] =	stream.indirect.gather [hbm4b:s2+s26], $0x80, s3, s26, $0xb8;
	[tilespmem:$0x14100] =	vst v63  }
.LBB2_2:
0x50: {  	_ =	swait.ge [sflag:s29], $0x50  }
0x51: {  	p0 =	seq.s32 s24, $0x0;
	[sflag:s29] =	ssyncset.done $0x0  }
0x52: {  	s0 =	simm.s32 @!p0 $0x6;
	[sflag:s29] =	ssyncadd.s32 $0xFFFFFFB0  }
0x53: {  	_ =	swait.ge @!p0 [sflag:s0], $0x7800  }
0x54: {  	[sflag:s0] =	ssyncset.done @!p0 $0x0  }
0x55: {  	[sflag:s0] =	ssyncadd.s32 @!p0 $0xFFFF8800  }
0x56: {  	v4 =	vld [tilespmem:$0x80];
	_ =	sdelay $0x4  }
0x57: {  	v5 =	vshll.u32 v4, $0x1  }
0x58: {  	v4 =	vand.u32 $0x7, v4;
	v5 =	vand.u32 $0xFFFFFFF0, v5  }
0x59: {  	v4 =	vor.u32 v4, v5  }
0x5a: {  	v5 =	vperm.xlane v4, v0;
	_ =	sdelay $0x1  }
0x5b: {  	v4 =	vperm.xlane v4, v2;
	v5 =	vadd.s32 v1, v5;
	_ =	sdelay $0x1  }
0x5c: {  	v4 =	vadd.s32 v1, v4;
	_ =	sdelay $0x2  }
0x5d: {  	[tilespmem:s30], [sflag:$0x2] =	stream.indirect_vreg.gather [hbm4b:s6+s3], $0x80, v5, vm0, $0xb8;
	[tilespmem:$0x14100] =	vst v63  }
0x5e: {  	s9 =	simm.s32 $0x8500  }
0x5f: {  	[tilespmem:s9], [sflag:$0x2] =	stream.indirect_vreg.gather [hbm4b:s6+s3], $0x80, v4, vm0, $0xb8;
	[tilespmem:$0x14100] =	vst v63  }
0x60: {  	v4 =	vld [tilespmem:$0x90];
	_ =	sdelay $0x4  }
0x61: {  	v5 =	vshll.u32 v4, $0x1  }
0x62: {  	v4 =	vand.u32 $0x7, v4;
	v5 =	vand.u32 $0xFFFFFFF0, v5  }
0x63: {  	v4 =	vor.u32 v4, v5  }
0x64: {  	v5 =	vperm.xlane v4, v0;
	_ =	sdelay $0x1  }
0x65: {  	v4 =	vperm.xlane v4, v2;
	v5 =	vadd.s32 v1, v5;
	_ =	sdelay $0x1  }
0x66: {  	v4 =	vadd.s32 v1, v4;
	_ =	sdelay $0x1  }
0x67: {  	s12 =	simm.s32 $0x9100  }
0x68: {  	[tilespmem:s12], [sflag:$0x2] =	stream.indirect_vreg.gather [hbm4b:s6+s3], $0x80, v5, vm0, $0xb8;
	[tilespmem:$0x14100] =	vst v63  }
0x69: {  	s13 =	simm.s32 $0x9D00  }
0x6a: {  	[tilespmem:s13], [sflag:$0x2] =	stream.indirect_vreg.gather [hbm4b:s6+s3], $0x80, v4, vm0, $0xb8;
	[tilespmem:$0x14100] =	vst v63  }
0x6b: {  	v4 =	vld [tilespmem:$0xA0];
	_ =	sdelay $0x4  }
0x6c: {  	v5 =	vshll.u32 v4, $0x1  }
0x6d: {  	v4 =	vand.u32 $0x7, v4;
	v5 =	vand.u32 $0xFFFFFFF0, v5  }
0x6e: {  	v4 =	vor.u32 v4, v5  }
0x6f: {  	v5 =	vperm.xlane v4, v0;
	_ =	sdelay $0x1  }
0x70: {  	v4 =	vperm.xlane v4, v2;
	v5 =	vadd.s32 v1, v5;
	_ =	sdelay $0x1  }
0x71: {  	v4 =	vadd.s32 v1, v4;
	_ =	sdelay $0x1  }
0x72: {  	s25 =	simm.s32 $0xA900  }
0x73: {  	[tilespmem:s25], [sflag:$0x2] =	stream.indirect_vreg.gather [hbm4b:s6+s3], $0x80, v5, vm0, $0xb8;
	[tilespmem:$0x14100] =	vst v63  }
0x74: {  	s1 =	simm.s32 $0xB500  }
0x75: {  	[tilespmem:s1], [sflag:$0x2] =	stream.indirect_vreg.gather [hbm4b:s6+s3], $0x80, v4, vm0, $0xb8;
	[tilespmem:$0x14100] =	vst v63  }
0x76: {  	v4 =	vld [tilespmem:$0xB0];
	_ =	sdelay $0x4  }
0x77: {  	v5 =	vshll.u32 v4, $0x1  }
0x78: {  	v4 =	vand.u32 $0x7, v4;
	v5 =	vand.u32 $0xFFFFFFF0, v5  }
0x79: {  	v4 =	vor.u32 v4, v5  }
0x7a: {  	v5 =	vperm.xlane v4, v0;
	_ =	sdelay $0x1  }
0x7b: {  	v4 =	vperm.xlane v4, v2;
	v5 =	vadd.s32 v1, v5;
	_ =	sdelay $0x1  }
0x7c: {  	v4 =	vadd.s32 v1, v4;
	_ =	sdelay $0x2  }
0x7d: {  	[tilespmem:s8], [sflag:$0x2] =	stream.indirect_vreg.gather [hbm4b:s6+s3], $0x80, v5, vm0, $0xb8;
	[tilespmem:$0x14100] =	vst v63  }
0x7e: {  	_ = 	snop  }
0x7f: {  	[tilespmem:s17], [sflag:$0x2] =	stream.indirect_vreg.gather [hbm4b:s6+s3], $0x80, v4, vm0, $0xb8;
	[tilespmem:$0x14100] =	vst v63  }
0x80: {  	v4 =	vld [tilespmem:$0xC0];
	_ =	sdelay $0x4  }
0x81: {  	v5 =	vshll.u32 v4, $0x1  }
0x82: {  	v4 =	vand.u32 $0x7, v4;
	v5 =	vand.u32 $0xFFFFFFF0, v5  }
0x83: {  	v4 =	vor.u32 v4, v5  }
0x84: {  	v5 =	vperm.xlane v4, v0;
	_ =	sdelay $0x1  }
0x85: {  	v4 =	vperm.xlane v4, v2;
	v5 =	vadd.s32 v1, v5;
	_ =	sdelay $0x1  }
0x86: {  	v4 =	vadd.s32 v1, v4;
	_ =	sdelay $0x2  }
0x87: {  	[tilespmem:s18], [sflag:$0x2] =	stream.indirect_vreg.gather [hbm4b:s6+s3], $0x80, v5, vm0, $0xb8;
	[tilespmem:$0x14100] =	vst v63  }
0x88: {  	_ = 	snop  }
0x89: {  	[tilespmem:s19], [sflag:$0x2] =	stream.indirect_vreg.gather [hbm4b:s6+s3], $0x80, v4, vm0, $0xb8;
	[tilespmem:$0x14100] =	vst v63  }
0x8a: {  	_ = 	snop  }
0x8b: {  	[tilespmem:s20], [sflag:$0x2] =	stream.indirect.gather [hbm4b:s2+s26], $0x80, s14, s26, $0xb8;
	[tilespmem:$0x14100] =	vst v63  }
0x8c: {  	_ =	swait.ge [sflag:s21], $0x5000  }
0x8d: {  	s28 =	smul.u32 $0xA0, s24;
	[sflag:s21] =	ssyncset.done $0x0  }
0x8e: {  	p0 =	seq.s32 s24, $0x27F;
	[sflag:s21] =	ssyncadd.s32 $0xFFFFB000  }
0x8f: {  	s0 =	sadd.s32 @!p0 s28, s11;
	_ =	swait.ge [sflag:s21], $0x2800  }
0x90: {  	s0 =	sshrl.u32 @!p0 s0, $0x3;
	[sflag:s21] =	ssyncset.done $0x0  }
0x91: {  	s0 =	sadd.s32 @!p0 s5, s0;
	s1 =	simm.s32 @!p0 $0x0;
	[sflag:s21] =	ssyncadd.s32 $0xFFFFD800  }
0x92: {  	[tilespmem:s1], [sflag:$0x3] =	stream.linear.gather @!p0 [hbm4b:s0+s1], $0x50, $0x38;
	[tilespmem:$0x14100] =	vst v63  }
0x93: {  	s0 =	simm.s32 $0xF350  }
0x94: {  	v4 =	vld [tilespmem:s0+$0x180]  }
0x95: {  	v5 =	vld [tilespmem:s0+$0xFFFFFE80]  }
0x96: {  	v6 =	vld [tilespmem:s0+$0xFFFFFF00]  }
0x97: {  	v7 =	vld [tilespmem:s0+$0xFFFFFF80]  }
0x98: {  	s9 =	simm.s32 $0x7;
	s12 =	simm.s32 $0xC90;
	v8 =	vld [tilespmem:s0+$0x0]  }
0x99: {  	v9 =	vld [tilespmem:s0+$0x80];
	[tilespmem:s12+$0xFFFFFFF0] =	vst v4;
	v4 =	vmov s9  }
0x9a: {  	[tilespmem:s12+$0xFFFFFCF0] =	vst v5;
	v5 =	vld [tilespmem:s0+$0x190];
	v4 =	vshrl.u32 v4, $0x3  }
0x9b: {  	s13 =	simm.s32 $0x0;
	s25 =	simm.s32 $0x1;
	[tilespmem:s12+$0xFFFFFD70] =	vst v6;
	v6 =	vld [tilespmem:s0+$0x100];
	v4 =	vmul.u32 $0xC00, v4  }
0x9c: {  	v10 =	vmov s13;
	s13 =	simm.s32 $0x3;
	[tilespmem:s12+$0xFFFFFDF0] =	vst v7;
	v7 =	vmov s25  }
0x9d: {  	v13 =	vmov s13;
	v11 =	vld [tilespmem:s0+$0xFFFFFE00];
	s9 =	simm.s32 $0x2;
	[tilespmem:s12+$0xFFFFFE70] =	vst v8;
	v7 =	vshrl.u32 v7, $0x3;
	v4 =	vadd.s32 $0xB80, v4  }
0x9e: {  	s13 =	simm.s32 $0x5;
	[tilespmem:s12+$0xFFFFFEF0] =	vst v9;
	v8 =	vmov s9;
	s9 =	simm.s32 $0x4;
	v14 =	vld [tilespmem:s0+$0xFFFFFF10];
	v7 =	vmul.u32 $0xC00, v7;
	v4 =	vbroadcast v4, $0x0  }
0x9f: {  	v10 =	vshrl.u32 v10, $0x3;
	v15 =	vmov s13;
	v12 =	vld [tilespmem:s0+$0xFFFFFE90];
	v9 =	vmov s9;
	[tilespmem:s12+$0x0] =	vst v5  }
0xa0: {  	v9 =	vshrl.u32 v9, $0x3;
	v7 =	vadd.s32 $0x880, v7;
	[tilespmem:s12+$0xFFFFFF70] =	vst v6;
	v6 =	vld [tilespmem:s0+$0x19C];
	v4 =	vor.u32 v3, v4  }
0xa1: {  	s25 =	simm.s32 $0x6;
	v16 =	vld [tilespmem:s0+$0xFFFFFF90];
	v7 =	vbroadcast v7, $0x0;
	v5 =	vshrl.u32 v8, $0x3;
	v8 =	vmul.u32 $0xC00, v10  }
0xa2: {  	[tilespmem:s12+$0xFFFFFC70] =	vst v11;
	v11 =	vld [tilespmem:s0+$0x10];
	v10 =	vshrl.u32 v13, $0x3;
	v13 =	vmov s25;
	v5 =	vmul.u32 $0xC00, v5  }
0xa3: {  	v17 =	vld [tilespmem:s0+$0xFFFFFE10];
	[tilespmem:s12+$0xFFFFFD80] =	vst v14;
	v14 =	vshrl.u32 v15, $0x3;
	v10 =	vmul.u32 $0xC00, v10;
	v13 =	vshrl.u32 v13, $0x3  }
0xa4: {  	[tilespmem:s12+$0xFFFFFD00] =	vst v12;
	v12 =	vld [tilespmem:s0+$0x90];
	v7 =	vor.u32 v3, v7;
	v8 =	vadd.s32 $0x800, v8;
	v5 =	vadd.s32 $0x900, v5  }
0xa5: {  	v15 =	vld [tilespmem:s0+$0x110];
	v10 =	vadd.s32 $0x980, v10;
	v5 =	vbroadcast v5, $0x0;
	[tilespmem:v4+s16+$0x0] =	vst.idx.msk $0xffff, v6;
	v4 =	vmul.u32 $0xC00, v9  }
0xa6: {  	[tilespmem:s12+$0xFFFFFE00] =	vst v16;
	v62 =	vld [tilespmem:s0+$0xFFFFFE9C];
	v8 =	vbroadcast v8, $0x0;
	v10 =	vbroadcast v10, $0x0;
	v6 =	vmul.u32 $0xC00, v14  }
0xa7: {  	[tilespmem:s12+$0xFFFFFE80] =	vst v11;
	v14 =	vld [tilespmem:s0+$0xFFFFFF1C];
	v18 =	vor.u32 v3, v5;
	v5 =	vmul.u32 $0xC00, v13;
	v9 =	vadd.s32 $0xA00, v4  }
0xa8: {  	[tilespmem:s12+$0xFFFFFC80] =	vst v17;
	v13 =	vld [tilespmem:s0+$0xFFFFFF9C];
	v63 =	vor.u32 v3, v10;
	v6 =	vadd.s32 $0xA80, v6;
	v9 =	vbroadcast v9, $0x0  }
0xa9: {  	[tilespmem:s12+$0xFFFFFF00] =	vst v12;
	v4 =	vld [tilespmem:s0+$0xFFFFFE1C];
	v10 =	vadd.s32 $0xB00, v5;
	v11 =	vbroadcast v6, $0x0;
	v6 =	vor.u32 v3, v8  }
0xaa: {  	[tilespmem:s12+$0xFFFFFF80] =	vst v15;
	v5 =	vld [tilespmem:s0+$0x1C];
	v10 =	vbroadcast v10, $0x0;
	v9 =	vor.u32 v3, v9  }
0xab: {  	[tilespmem:v7+s16+$0x0] =	vst.idx.msk $0xffff, v62;
	v7 =	vld [tilespmem:s0+$0x9C];
	v12 =	vor.u32 v3, v11  }
0xac: {  	s31 =	simm.s32 $0xF750;
	v8 =	vld [tilespmem:s0+$0x11C];
	[tilespmem:v18+s16+$0x0] =	vst.idx.msk $0xffff, v14;
	v11 =	vor.u32 v3, v10  }
0xad: {  	s1 =	simm.s32 $0x8;
	s25 =	sadd.s32 s28, s10;
	s0 =	simm.s32 $0x10;
	v10 =	vld [tilespmem:s31+$0x180];
	[tilespmem:v63+s16+$0x0] =	vst.idx.msk $0xffff, v13  }
.LBB2_3:
0xae: {  	p1 =	slt.u32 s0, $0x48;
	v13 =	vld [tilespmem:s31+$0xFFFFFE80];
	[tilespmem:v6+s16+$0x0] =	vst.idx.msk $0xffff, v4  }
0xaf: {  	v4 =	vld [tilespmem:s31+$0xFFFFFF00];
	[tilespmem:v9+s16+$0x0] =	vst.idx.msk $0xffff, v5  }
0xb0: {  	v5 =	vld [tilespmem:s31+$0xFFFFFF80];
	[tilespmem:v12+s16+$0x0] =	vst.idx.msk $0xffff, v7  }
0xb1: {  	s9 =	sadd.s32 $0x7, s1;
	s12 =	sadd.s32 $0xC00, s12;
	v6 =	vld [tilespmem:s31+$0x0];
	[tilespmem:v11+s16+$0x0] =	vst.idx.msk $0xffff, v8  }
0xb2: {  	v8 =	vmov s9;
	v7 =	vld [tilespmem:s31+$0x80];
	[tilespmem:s12+$0xFFFFFFF0] =	vst v10  }
0xb3: {  	s9 =	sadd.s32 $0x1, s1;
	v8 =	vshrl.u32 v8, $0x3;
	[tilespmem:s12+$0xFFFFFCF0] =	vst v13;
	v9 =	vld [tilespmem:s31+$0x190]  }
0xb4: {  	s13 =	sadd.s32 $0x3, s1;
	v10 =	vmov s1;
	v11 =	vmov s9;
	s9 =	sadd.s32 $0x2, s1;
	v8 =	vmul.u32 $0xC00, v8;
	[tilespmem:s12+$0xFFFFFD70] =	vst v4;
	v4 =	vld [tilespmem:s31+$0x100]  }
0xb5: {  	v10 =	vshrl.u32 v10, $0x3;
	v13 =	vmov s9;
	s9 =	sadd.s32 $0x4, s1;
	v12 =	vld [tilespmem:s31+$0xFFFFFE00];
	[tilespmem:s12+$0xFFFFFDF0] =	vst v5;
	v5 =	vmov s13;
	s13 =	sadd.s32 $0x5, s1  }
0xb6: {  	v8 =	vadd.s32 $0xB80, v8;
	v14 =	vld [tilespmem:s31+$0xFFFFFE90];
	[tilespmem:s12+$0xFFFFFE70] =	vst v6;
	v6 =	vmov s9;
	v15 =	vmov s13;
	s9 =	sadd.s32 $0x6, s1;
	s1 =	smov.u32 s0  }
0xb7: {  	v10 =	vmul.u32 $0xC00, v10;
	v8 =	vbroadcast v8, $0x0;
	v16 =	vld [tilespmem:s31+$0xFFFFFF10];
	[tilespmem:s12+$0xFFFFFEF0] =	vst v7;
	v7 =	vmov s9  }
0xb8: {  	v11 =	vshrl.u32 v11, $0x3;
	v13 =	vshrl.u32 v13, $0x3;
	v5 =	vshrl.u32 v5, $0x3;
	v17 =	vld [tilespmem:s31+$0xFFFFFF90];
	[tilespmem:s12+$0x0] =	vst v9  }
0xb9: {  	v6 =	vshrl.u32 v6, $0x3;
	v9 =	vmul.u32 $0xC00, v11;
	v8 =	vor.u32 v3, v8;
	[tilespmem:s12+$0xFFFFFF70] =	vst v4;
	v4 =	vld [tilespmem:s31+$0x19C]  }
0xba: {  	v11 =	vmul.u32 $0xC00, v13;
	v13 =	vshrl.u32 v15, $0x3;
	v7 =	vshrl.u32 v7, $0x3;
	[tilespmem:s12+$0xFFFFFC70] =	vst v12;
	v12 =	vld [tilespmem:s31+$0x10]  }
0xbb: {  	v5 =	vmul.u32 $0xC00, v5;
	v6 =	vmul.u32 $0xC00, v6;
	v9 =	vadd.s32 $0x880, v9;
	v15 =	vld [tilespmem:s31+$0xFFFFFE10];
	[tilespmem:s12+$0xFFFFFD00] =	vst v14  }
0xbc: {  	v13 =	vmul.u32 $0xC00, v13;
	v11 =	vadd.s32 $0x900, v11;
	v9 =	vbroadcast v9, $0x0;
	[tilespmem:s12+$0xFFFFFD80] =	vst v16;
	v14 =	vld [tilespmem:s31+$0x90]  }
0xbd: {  	v5 =	vadd.s32 $0x980, v5;
	v7 =	vmul.u32 $0xC00, v7;
	v11 =	vbroadcast v11, $0x0;
	[tilespmem:s12+$0xFFFFFE00] =	vst v17;
	v16 =	vld [tilespmem:s31+$0x110]  }
0xbe: {  	v10 =	vadd.s32 $0x800, v10;
	v5 =	vbroadcast v5, $0x0;
	v18 =	vor.u32 v3, v9;
	v17 =	vld [tilespmem:s31+$0xFFFFFE9C];
	[tilespmem:v8+s16+$0x0] =	vst.idx.msk $0xffff, v4  }
0xbf: {  	v11 =	vor.u32 v3, v11;
	v8 =	vbroadcast v10, $0x0;
	v4 =	vadd.s32 $0xA00, v6;
	v10 =	vld [tilespmem:s31+$0xFFFFFF1C];
	[tilespmem:s12+$0xFFFFFE80] =	vst v12  }
0xc0: {  	v19 =	vor.u32 v3, v5;
	v5 =	vadd.s32 $0xA80, v13;
	v9 =	vbroadcast v4, $0x0;
	[tilespmem:s12+$0xFFFFFC80] =	vst v15;
	v15 =	vld [tilespmem:s31+$0xFFFFFF9C]  }
.Ltmp0:
0xc1: {  	v7 =	vadd.s32 $0xB00, v7;
	v6 =	vor.u32 v3, v8;
	v8 =	vbroadcast v5, $0x0;
	v4 =	vld [tilespmem:s31+$0xFFFFFE1C];
	[tilespmem:s12+$0xFFFFFF00] =	vst v14;
	(pc) =	sbr.rel @p1 .LBB2_3-.Ltmp0, $4  }
0xc2: {  	v13 =	vbroadcast v7, $0x0;
	v9 =	vor.u32 v3, v9;
	v5 =	vld [tilespmem:s31+$0x1C];
	[tilespmem:s12+$0xFFFFFF80] =	vst v16  }
0xc3: {  	v12 =	vor.u32 v3, v8;
	[tilespmem:v18+s16+$0x0] =	vst.idx.msk $0xffff, v17;
	v7 =	vld [tilespmem:s31+$0x9C]  }
0xc4: {  	[tilespmem:v11+s16+$0x0] =	vst.idx.msk $0xffff, v10;
	v8 =	vld [tilespmem:s31+$0x11C];
	v11 =	vor.u32 v3, v13;
	s31 =	sadd.s32 $0x400, s31  }
0xc5: {  	s0 =	sadd.s32 $0x8, s0;
	v10 =	vld [tilespmem:s31+$0x180];
	[tilespmem:v19+s16+$0x0] =	vst.idx.msk $0xffff, v15  }
0xc6: {  	_ =	sdelay $0x3  }
0xc7: {  	v13 =	vld [tilespmem:s31+$0xFFFFFE80];
	[tilespmem:v6+s16+$0x0] =	vst.idx.msk $0xffff, v4  }
0xc8: {  	v4 =	vld [tilespmem:s31+$0xFFFFFF00];
	[tilespmem:v9+s16+$0x0] =	vst.idx.msk $0xffff, v5  }
0xc9: {  	v38 =	vld [tilespmem:s31+$0x0];
	[tilespmem:v12+s16+$0x0] =	vst.idx.msk $0xffff, v7  }
0xca: {  	s0 =	sadd.s32 $0xC00, s12;
	v39 =	vld [tilespmem:s31+$0x80];
	[tilespmem:v11+s16+$0x0] =	vst.idx.msk $0xffff, v8  }
0xcb: {  	s9 =	sadd.s32 $0x7, s1;
	v42 =	vmov s1;
	s12 =	sadd.s32 $0x2, s1;
	v44 =	vld [tilespmem:s31+$0xFFFFFE00];
	[tilespmem:s0+$0xFFFFFFF0] =	vst v10  }
0xcc: {  	s13 =	sadd.s32 $0x1, s1;
	v5 =	vld [tilespmem:s31+$0xFFFFFF80];
	v40 =	vmov s9;
	v45 =	vmov s12;
	s12 =	sadd.s32 $0x4, s1;
	[tilespmem:s0+$0xFFFFFCF0] =	vst v13  }
0xcd: {  	v43 =	vmov s13;
	v46 =	vmov s12;
	v41 =	vld [tilespmem:s31+$0x190];
	[tilespmem:s0+$0xFFFFFD70] =	vst v4  }
0xce: {  	v8 =	vshrl.u32 v40, $0x3;
	v11 =	vshrl.u32 v43, $0x3;
	v6 =	vshrl.u32 v46, $0x3;
	v4 =	vld [tilespmem:s31+$0x100];
	[tilespmem:s0+$0xFFFFFE70] =	vst v38  }
0xcf: {  	v8 =	vmul.u32 $0xC00, v8;
	v10 =	vshrl.u32 v42, $0x3;
	v48 =	vmul.u32 $0xC00, v11;
	[tilespmem:s0+$0xFFFFFEF0] =	vst v39;
	v14 =	vld [tilespmem:s31+$0xFFFFFE90]  }
0xd0: {  	s13 =	sadd.s32 $0x3, s1;
	v6 =	vmul.u32 $0xC00, v6;
	v10 =	vmul.u32 $0xC00, v10;
	v13 =	vshrl.u32 v45, $0x3;
	[tilespmem:s0+$0xFFFFFC70] =	vst v44;
	v16 =	vld [tilespmem:s31+$0xFFFFFF10]  }
0xd1: {  	[tilespmem:s0+$0xFFFFFDF0] =	vst v5;
	v5 =	vmov s13;
	s13 =	sadd.s32 $0x5, s1;
	v8 =	vadd.s32 $0xB80, v8;
	v49 =	vmul.u32 $0xC00, v13;
	v50 =	vld [tilespmem:s31+$0x10]  }
0xd2: {  	v52 =	vld [tilespmem:s31+$0xFFFFFE10];
	v9 =	vadd.s32 $0x880, v48;
	v6 =	vadd.s32 $0xA00, v6;
	v15 =	vmov s13;
	[tilespmem:s0+$0x0] =	vst v41  }
0xd3: {  	v53 =	vld [tilespmem:s31+$0x90];
	s13 =	sadd.s32 $0x6, s1;
	v8 =	vbroadcast v8, $0x0;
	v5 =	vshrl.u32 v5, $0x3;
	v9 =	vbroadcast v9, $0x0;
	[tilespmem:s0+$0xFFFFFF70] =	vst v4  }
0xd4: {  	v17 =	vld [tilespmem:s31+$0xFFFFFF90];
	v6 =	vbroadcast v6, $0x0;
	v47 =	vmov s13;
	v51 =	vshrl.u32 v15, $0x3;
	[tilespmem:s0+$0xFFFFFD00] =	vst v14  }
0xd5: {  	v5 =	vmul.u32 $0xC00, v5;
	v11 =	vadd.s32 $0x900, v49;
	v8 =	vor.u32 v3, v8;
	v4 =	vld [tilespmem:s31+$0x19C];
	[tilespmem:s0+$0xFFFFFD80] =	vst v16  }
0xd6: {  	v7 =	vshrl.u32 v47, $0x3;
	v13 =	vmul.u32 $0xC00, v51;
	v11 =	vbroadcast v11, $0x0;
	v54 =	vld [tilespmem:s31+$0x110];
	[tilespmem:s0+$0xFFFFFE80] =	vst v50  }
0xd7: {  	v9 =	vor.u32 v3, v9;
	v5 =	vadd.s32 $0x980, v5;
	v7 =	vmul.u32 $0xC00, v7;
	[tilespmem:s0+$0xFFFFFC80] =	vst v52;
	v55 =	vld [tilespmem:s31+$0xFFFFFE9C]  }
0xd8: {  	v5 =	vbroadcast v5, $0x0;
	v57 =	vor.u32 v3, v11;
	v59 =	vadd.s32 $0xA80, v13;
	[tilespmem:s0+$0xFFFFFF00] =	vst v53;
	v56 =	vld [tilespmem:s31+$0xFFFFFF1C]  }
0xd9: {  	v6 =	vor.u32 v3, v6;
	[tilespmem:s0+$0xFFFFFE00] =	vst v17;
	v12 =	vbroadcast v59, $0x0;
	v7 =	vadd.s32 $0xB00, v7;
	v61 =	vld [tilespmem:s31+$0x1C]  }
0xda: {  	v10 =	vadd.s32 $0x800, v10;
	v58 =	vld [tilespmem:s31+$0xFFFFFF9C];
	v5 =	vor.u32 v3, v5;
	v7 =	vbroadcast v7, $0x0;
	[tilespmem:v8+s16+$0x0] =	vst.idx.msk $0xffff, v4  }
0xdb: {  	v62 =	vld [tilespmem:s31+$0x9C];
	v12 =	vor.u32 v3, v12;
	v4 =	vbroadcast v10, $0x0;
	[tilespmem:s0+$0xFFFFFF80] =	vst v54  }
0xdc: {  	v7 =	vor.u32 v3, v7;
	[tilespmem:v9+s16+$0x0] =	vst.idx.msk $0xffff, v55;
	v63 =	vld [tilespmem:s31+$0x11C]  }
0xdd: {  	v60 =	vld [tilespmem:s31+$0xFFFFFE1C];
	[tilespmem:v57+s16+$0x0] =	vst.idx.msk $0xffff, v56;
	v4 =	vor.u32 v3, v4  }
0xde: {  	s31 =	sadd.s32 s4, s28;
	[tilespmem:v6+s16+$0x0] =	vst.idx.msk $0xffff, v61  }
.Ltmp1:
0xdf: {  	[tilespmem:v5+s16+$0x0] =	vst.idx.msk $0xffff, v58;
	s0 =	sshrl.u32 s31, $0x3;
	(pc) =	sbr.rel @!p0 .LBB2_5-.Ltmp1, $4  }
0xe0: {  	s0 =	smul.u32 $0x180, s0;
	[tilespmem:v12+s16+$0x0] =	vst.idx.msk $0xffff, v62  }
0xe1: {  	[tilespmem:v7+s16+$0x0] =	vst.idx.msk $0xffff, v63  }
0xe2: {  	s0 =	sadd.s32 s7, s0;
	[tilespmem:v4+s16+$0x0] =	vst.idx.msk $0xffff, v60  }
0xe3: {  	[hbm4b:s0+s3] =	stream.linear.scatter [tilespmem:s16], [sflag:$0x5], $0x7800, $0x38;
	[tilespmem:$0x14100] =	vst v63  }
0xe4: {  	_ =	swait.ge [sflag:s22], $0x5000  }
.Ltmp2:
0xe5: {  	[sflag:s22] =	ssyncset.done $0x0;
	(pc) =	sbr.rel .LBB2_7-.Ltmp2, $4  }
0xe6: {  	[sflag:s22] =	ssyncadd.s32 $0xFFFFB000  }
0xe7: {  	_ =	swait.ge [sflag:s22], $0x2800  }
0xe8: {  	[sflag:s22] =	ssyncset.done $0x0  }
0xe9: {  	[sflag:s22] =	ssyncadd.s32 $0xFFFFD800  }
.LBB2_5:
0xea: {  	_ =	swait.ge [sflag:s15], $0x50  }
0xeb: {  	[sflag:s15] =	ssyncset.done $0x0  }
0xec: {  	[sflag:s15] =	ssyncadd.s32 $0xFFFFFFB0  }
0xed: {  	_ =	swait.ge [sflag:s23], $0x7800  }
0xee: {  	[sflag:s23] =	ssyncset.done $0x0  }
0xef: {  	[sflag:s23] =	ssyncadd.s32 $0xFFFF8800  }
0xf0: {  	v4 =	vld [tilespmem:$0x0];
	_ =	sdelay $0x4  }
0xf1: {  	v5 =	vshll.u32 v4, $0x1  }
0xf2: {  	v4 =	vand.u32 $0x7, v4;
	v5 =	vand.u32 $0xFFFFFFF0, v5  }
0xf3: {  	v4 =	vor.u32 v4, v5  }
0xf4: {  	v5 =	vperm.xlane v4, v0;
	_ =	sdelay $0x1  }
0xf5: {  	v4 =	vperm.xlane v4, v2;
	v5 =	vadd.s32 v1, v5;
	_ =	sdelay $0x1  }
0xf6: {  	v4 =	vadd.s32 v1, v4;
	_ =	sdelay $0x2  }
0xf7: {  	[tilespmem:s16], [sflag:$0x1] =	stream.indirect_vreg.gather [hbm4b:s6+s3], $0x80, v5, vm0, $0xb8;
	[tilespmem:$0x14100] =	vst v63  }
0xf8: {  	s0 =	simm.s32 $0xD00  }
0xf9: {  	[tilespmem:s0], [sflag:$0x1] =	stream.indirect_vreg.gather [hbm4b:s6+s3], $0x80, v4, vm0, $0xb8;
	[tilespmem:$0x14100] =	vst v63  }
0xfa: {  	v4 =	vld [tilespmem:$0x10];
	_ =	sdelay $0x4  }
0xfb: {  	v5 =	vshll.u32 v4, $0x1  }
0xfc: {  	v4 =	vand.u32 $0x7, v4;
	v5 =	vand.u32 $0xFFFFFFF0, v5  }
0xfd: {  	v4 =	vor.u32 v4, v5  }
0xfe: {  	v5 =	vperm.xlane v4, v0;
	_ =	sdelay $0x1  }
0xff: {  	v4 =	vperm.xlane v4, v2;
	v5 =	vadd.s32 v1, v5;
	_ =	sdelay $0x1  }
0x100: {  	v4 =	vadd.s32 v1, v4;
	_ =	sdelay $0x1  }
0x101: {  	s1 =	simm.s32 $0x1900  }
0x102: {  	[tilespmem:s1], [sflag:$0x1] =	stream.indirect_vreg.gather [hbm4b:s6+s3], $0x80, v5, vm0, $0xb8;
	[tilespmem:$0x14100] =	vst v63  }
0x103: {  	s9 =	simm.s32 $0x2500  }
0x104: {  	[tilespmem:s9], [sflag:$0x1] =	stream.indirect_vreg.gather [hbm4b:s6+s3], $0x80, v4, vm0, $0xb8;
	[tilespmem:$0x14100] =	vst v63  }
0x105: {  	v4 =	vld [tilespmem:$0x20];
	_ =	sdelay $0x4  }
0x106: {  	v5 =	vshll.u32 v4, $0x1  }
0x107: {  	v4 =	vand.u32 $0x7, v4;
	v5 =	vand.u32 $0xFFFFFFF0, v5  }
0x108: {  	v4 =	vor.u32 v4, v5  }
0x109: {  	v5 =	vperm.xlane v4, v0;
	_ =	sdelay $0x1  }
0x10a: {  	v4 =	vperm.xlane v4, v2;
	v5 =	vadd.s32 v1, v5;
	_ =	sdelay $0x1  }
0x10b: {  	v4 =	vadd.s32 v1, v4;
	_ =	sdelay $0x1  }
0x10c: {  	s12 =	simm.s32 $0x3100  }
0x10d: {  	[tilespmem:s12], [sflag:$0x1] =	stream.indirect_vreg.gather [hbm4b:s6+s3], $0x80, v5, vm0, $0xb8;
	[tilespmem:$0x14100] =	vst v63  }
0x10e: {  	s13 =	simm.s32 $0x3D00  }
0x10f: {  	[tilespmem:s13], [sflag:$0x1] =	stream.indirect_vreg.gather [hbm4b:s6+s3], $0x80, v4, vm0, $0xb8;
	[tilespmem:$0x14100] =	vst v63  }
0x110: {  	v4 =	vld [tilespmem:$0x30];
	_ =	sdelay $0x4  }
0x111: {  	v5 =	vshll.u32 v4, $0x1  }
0x112: {  	v4 =	vand.u32 $0x7, v4;
	v5 =	vand.u32 $0xFFFFFFF0, v5  }
0x113: {  	v4 =	vor.u32 v4, v5  }
0x114: {  	v5 =	vperm.xlane v4, v0;
	_ =	sdelay $0x1  }
0x115: {  	v4 =	vperm.xlane v4, v2;
	v5 =	vadd.s32 v1, v5;
	_ =	sdelay $0x1  }
0x116: {  	v4 =	vadd.s32 v1, v4;
	_ =	sdelay $0x1  }
0x117: {  	s31 =	simm.s32 $0x4900  }
0x118: {  	[tilespmem:s31], [sflag:$0x1] =	stream.indirect_vreg.gather [hbm4b:s6+s3], $0x80, v5, vm0, $0xb8;
	[tilespmem:$0x14100] =	vst v63  }
0x119: {  	s1 =	simm.s32 $0x5500  }
0x11a: {  	[tilespmem:s1], [sflag:$0x1] =	stream.indirect_vreg.gather [hbm4b:s6+s3], $0x80, v4, vm0, $0xb8;
	[tilespmem:$0x14100] =	vst v63  }
0x11b: {  	v4 =	vld [tilespmem:$0x40];
	_ =	sdelay $0x4  }
0x11c: {  	v5 =	vshll.u32 v4, $0x1  }
0x11d: {  	v4 =	vand.u32 $0x7, v4;
	v5 =	vand.u32 $0xFFFFFFF0, v5  }
0x11e: {  	v4 =	vor.u32 v4, v5  }
0x11f: {  	v5 =	vperm.xlane v4, v0;
	_ =	sdelay $0x1  }
0x120: {  	v4 =	vperm.xlane v4, v2;
	v5 =	vadd.s32 v1, v5;
	_ =	sdelay $0x1  }
0x121: {  	v4 =	vadd.s32 v1, v4;
	_ =	sdelay $0x1  }
0x122: {  	s9 =	simm.s32 $0x6100  }
0x123: {  	[tilespmem:s9], [sflag:$0x1] =	stream.indirect_vreg.gather [hbm4b:s6+s3], $0x80, v5, vm0, $0xb8;
	[tilespmem:$0x14100] =	vst v63  }
0x124: {  	s12 =	simm.s32 $0x6D00  }
0x125: {  	[tilespmem:s12], [sflag:$0x1] =	stream.indirect_vreg.gather [hbm4b:s6+s3], $0x80, v4, vm0, $0xb8;
	[tilespmem:$0x14100] =	vst v63  }
0x126: {  	s13 =	simm.s32 $0xF100  }
0x127: {  	[tilespmem:s13], [sflag:$0x1] =	stream.indirect.gather [hbm4b:s2+s26], $0x80, s3, s26, $0xb8;
	[tilespmem:$0x14100] =	vst v63  }
0x128: {  	_ =	swait.ge [sflag:s22], $0x5000  }
0x129: {  	[sflag:s22] =	ssyncset.done $0x0  }
0x12a: {  	[sflag:s22] =	ssyncadd.s32 $0xFFFFB000  }
0x12b: {  	_ =	swait.ge [sflag:s22], $0x2800  }
0x12c: {  	s31 =	rddreg [dreg:$0x5]  }
0x12d: {  	s0 =	sadd.s32 s28, s31  }
0x12e: {  	[sflag:s22] =	ssyncset.done $0x0;
	s0 =	sshrl.u32 s0, $0x3  }
0x12f: {  	[sflag:s22] =	ssyncadd.s32 $0xFFFFD800;
	s0 =	sadd.s32 s5, s0  }
0x130: {  	[tilespmem:s14], [sflag:$0x4] =	stream.linear.gather [hbm4b:s0+s3], $0x50, $0x38;
	[tilespmem:$0x14100] =	vst v63  }
.LBB2_7:
0x131: {  	s0 =	simm.s32 $0x11B50  }
0x132: {  	v4 =	vld [tilespmem:s0+$0x180]  }
0x133: {  	v5 =	vld [tilespmem:s0+$0xFFFFFE80]  }
0x134: {  	v6 =	vld [tilespmem:s0+$0xFFFFFF00]  }
0x135: {  	v7 =	vld [tilespmem:s0+$0xFFFFFF80]  }
0x136: {  	s12 =	simm.s32 $0x8490;
	s1 =	simm.s32 $0x7;
	v8 =	vld [tilespmem:s0+$0x0]  }
0x137: {  	v9 =	vld [tilespmem:s0+$0x80];
	[tilespmem:s12+$0xFFFFFFF0] =	vst v4;
	v4 =	vmov s1  }
0x138: {  	[tilespmem:s12+$0xFFFFFCF0] =	vst v5;
	v5 =	vld [tilespmem:s0+$0x190];
	v4 =	vshrl.u32 v4, $0x3  }
0x139: {  	s31 =	simm.s32 $0x0;
	s9 =	simm.s32 $0x1;
	[tilespmem:s12+$0xFFFFFD70] =	vst v6;
	v6 =	vld [tilespmem:s0+$0x100];
	v4 =	vmul.u32 $0xC00, v4  }
0x13a: {  	v10 =	vmov s31;
	s31 =	simm.s32 $0x3;
	[tilespmem:s12+$0xFFFFFDF0] =	vst v7;
	v7 =	vmov s9  }
0x13b: {  	s13 =	simm.s32 $0x2;
	v11 =	vld [tilespmem:s0+$0xFFFFFE00];
	v13 =	vmov s31;
	[tilespmem:s12+$0xFFFFFE70] =	vst v8;
	v7 =	vshrl.u32 v7, $0x3;
	v4 =	vadd.s32 $0xB80, v4  }
0x13c: {  	v8 =	vmov s13;
	s9 =	simm.s32 $0x4;
	s13 =	simm.s32 $0x5;
	[tilespmem:s12+$0xFFFFFEF0] =	vst v9;
	v14 =	vld [tilespmem:s0+$0xFFFFFF10];
	v7 =	vmul.u32 $0xC00, v7;
	v4 =	vbroadcast v4, $0x0  }
0x13d: {  	v10 =	vshrl.u32 v10, $0x3;
	v12 =	vld [tilespmem:s0+$0xFFFFFE90];
	v9 =	vmov s9;
	v15 =	vmov s13;
	[tilespmem:s12+$0x0] =	vst v5  }
0x13e: {  	v9 =	vshrl.u32 v9, $0x3;
	v7 =	vadd.s32 $0x880, v7;
	[tilespmem:s12+$0xFFFFFF70] =	vst v6;
	v6 =	vld [tilespmem:s0+$0x19C];
	v4 =	vor.u32 v3, v4  }
0x13f: {  	s31 =	simm.s32 $0x6;
	v16 =	vld [tilespmem:s0+$0xFFFFFF90];
	v7 =	vbroadcast v7, $0x0;
	v5 =	vshrl.u32 v8, $0x3;
	v8 =	vmul.u32 $0xC00, v10  }
0x140: {  	[tilespmem:s12+$0xFFFFFC70] =	vst v11;
	v11 =	vld [tilespmem:s0+$0x10];
	v10 =	vshrl.u32 v13, $0x3;
	v13 =	vmov s31;
	v5 =	vmul.u32 $0xC00, v5  }
0x141: {  	v17 =	vld [tilespmem:s0+$0xFFFFFE10];
	[tilespmem:s12+$0xFFFFFD80] =	vst v14;
	v14 =	vshrl.u32 v15, $0x3;
	v10 =	vmul.u32 $0xC00, v10;
	v13 =	vshrl.u32 v13, $0x3  }
0x142: {  	[tilespmem:s12+$0xFFFFFD00] =	vst v12;
	v12 =	vld [tilespmem:s0+$0x90];
	v7 =	vor.u32 v3, v7;
	v8 =	vadd.s32 $0x800, v8;
	v5 =	vadd.s32 $0x900, v5  }
0x143: {  	v15 =	vld [tilespmem:s0+$0x110];
	v10 =	vadd.s32 $0x980, v10;
	v5 =	vbroadcast v5, $0x0;
	[tilespmem:v4+s30+$0x0] =	vst.idx.msk $0xffff, v6;
	v4 =	vmul.u32 $0xC00, v9  }
0x144: {  	[tilespmem:s12+$0xFFFFFE00] =	vst v16;
	v62 =	vld [tilespmem:s0+$0xFFFFFE9C];
	v8 =	vbroadcast v8, $0x0;
	v10 =	vbroadcast v10, $0x0;
	v6 =	vmul.u32 $0xC00, v14  }
0x145: {  	[tilespmem:s12+$0xFFFFFE80] =	vst v11;
	v14 =	vld [tilespmem:s0+$0xFFFFFF1C];
	v18 =	vor.u32 v3, v5;
	v5 =	vmul.u32 $0xC00, v13;
	v9 =	vadd.s32 $0xA00, v4  }
0x146: {  	[tilespmem:s12+$0xFFFFFC80] =	vst v17;
	v13 =	vld [tilespmem:s0+$0xFFFFFF9C];
	v63 =	vor.u32 v3, v10;
	v6 =	vadd.s32 $0xA80, v6;
	v9 =	vbroadcast v9, $0x0  }
0x147: {  	[tilespmem:s12+$0xFFFFFF00] =	vst v12;
	v4 =	vld [tilespmem:s0+$0xFFFFFE1C];
	v10 =	vadd.s32 $0xB00, v5;
	v11 =	vbroadcast v6, $0x0;
	v6 =	vor.u32 v3, v8  }
0x148: {  	[tilespmem:s12+$0xFFFFFF80] =	vst v15;
	v5 =	vld [tilespmem:s0+$0x1C];
	v10 =	vbroadcast v10, $0x0;
	v9 =	vor.u32 v3, v9  }
0x149: {  	[tilespmem:v7+s30+$0x0] =	vst.idx.msk $0xffff, v62;
	v7 =	vld [tilespmem:s0+$0x9C];
	v12 =	vor.u32 v3, v11  }
0x14a: {  	s28 =	simm.s32 $0x11F50;
	v8 =	vld [tilespmem:s0+$0x11C];
	[tilespmem:v18+s30+$0x0] =	vst.idx.msk $0xffff, v14;
	v11 =	vor.u32 v3, v10  }
0x14b: {  	s1 =	simm.s32 $0x8;
	s0 =	simm.s32 $0x10;
	v10 =	vld [tilespmem:s28+$0x180];
	[tilespmem:v63+s30+$0x0] =	vst.idx.msk $0xffff, v13  }
.LBB2_8:
0x14c: {  	p0 =	slt.u32 s0, $0x48;
	v13 =	vld [tilespmem:s28+$0xFFFFFE80];
	[tilespmem:v6+s30+$0x0] =	vst.idx.msk $0xffff, v4  }
0x14d: {  	v4 =	vld [tilespmem:s28+$0xFFFFFF00];
	[tilespmem:v9+s30+$0x0] =	vst.idx.msk $0xffff, v5  }
0x14e: {  	v5 =	vld [tilespmem:s28+$0xFFFFFF80];
	[tilespmem:v12+s30+$0x0] =	vst.idx.msk $0xffff, v7  }
0x14f: {  	s9 =	sadd.s32 $0x7, s1;
	s12 =	sadd.s32 $0xC00, s12;
	v6 =	vld [tilespmem:s28+$0x0];
	[tilespmem:v11+s30+$0x0] =	vst.idx.msk $0xffff, v8  }
0x150: {  	v8 =	vmov s9;
	v7 =	vld [tilespmem:s28+$0x80];
	[tilespmem:s12+$0xFFFFFFF0] =	vst v10  }
0x151: {  	s9 =	sadd.s32 $0x1, s1;
	v8 =	vshrl.u32 v8, $0x3;
	[tilespmem:s12+$0xFFFFFCF0] =	vst v13;
	v9 =	vld [tilespmem:s28+$0x190]  }
0x152: {  	s13 =	sadd.s32 $0x3, s1;
	v10 =	vmov s1;
	v11 =	vmov s9;
	s9 =	sadd.s32 $0x2, s1;
	v8 =	vmul.u32 $0xC00, v8;
	[tilespmem:s12+$0xFFFFFD70] =	vst v4;
	v4 =	vld [tilespmem:s28+$0x100]  }
0x153: {  	v10 =	vshrl.u32 v10, $0x3;
	v13 =	vmov s9;
	s9 =	sadd.s32 $0x4, s1;
	v12 =	vld [tilespmem:s28+$0xFFFFFE00];
	[tilespmem:s12+$0xFFFFFDF0] =	vst v5;
	v5 =	vmov s13;
	s13 =	sadd.s32 $0x5, s1  }
0x154: {  	v8 =	vadd.s32 $0xB80, v8;
	v14 =	vld [tilespmem:s28+$0xFFFFFE90];
	[tilespmem:s12+$0xFFFFFE70] =	vst v6;
	v6 =	vmov s9;
	v15 =	vmov s13;
	s9 =	sadd.s32 $0x6, s1;
	s1 =	smov.u32 s0  }
0x155: {  	v10 =	vmul.u32 $0xC00, v10;
	v8 =	vbroadcast v8, $0x0;
	v16 =	vld [tilespmem:s28+$0xFFFFFF10];
	[tilespmem:s12+$0xFFFFFEF0] =	vst v7;
	v7 =	vmov s9  }
0x156: {  	v11 =	vshrl.u32 v11, $0x3;
	v13 =	vshrl.u32 v13, $0x3;
	v5 =	vshrl.u32 v5, $0x3;
	v17 =	vld [tilespmem:s28+$0xFFFFFF90];
	[tilespmem:s12+$0x0] =	vst v9  }
0x157: {  	v6 =	vshrl.u32 v6, $0x3;
	v9 =	vmul.u32 $0xC00, v11;
	v8 =	vor.u32 v3, v8;
	[tilespmem:s12+$0xFFFFFF70] =	vst v4;
	v4 =	vld [tilespmem:s28+$0x19C]  }
0x158: {  	v11 =	vmul.u32 $0xC00, v13;
	v13 =	vshrl.u32 v15, $0x3;
	v7 =	vshrl.u32 v7, $0x3;
	[tilespmem:s12+$0xFFFFFC70] =	vst v12;
	v12 =	vld [tilespmem:s28+$0x10]  }
0x159: {  	v5 =	vmul.u32 $0xC00, v5;
	v6 =	vmul.u32 $0xC00, v6;
	v9 =	vadd.s32 $0x880, v9;
	v15 =	vld [tilespmem:s28+$0xFFFFFE10];
	[tilespmem:s12+$0xFFFFFD00] =	vst v14  }
0x15a: {  	v13 =	vmul.u32 $0xC00, v13;
	v11 =	vadd.s32 $0x900, v11;
	v9 =	vbroadcast v9, $0x0;
	[tilespmem:s12+$0xFFFFFD80] =	vst v16;
	v14 =	vld [tilespmem:s28+$0x90]  }
0x15b: {  	v5 =	vadd.s32 $0x980, v5;
	v7 =	vmul.u32 $0xC00, v7;
	v11 =	vbroadcast v11, $0x0;
	[tilespmem:s12+$0xFFFFFE00] =	vst v17;
	v16 =	vld [tilespmem:s28+$0x110]  }
0x15c: {  	v10 =	vadd.s32 $0x800, v10;
	v5 =	vbroadcast v5, $0x0;
	v18 =	vor.u32 v3, v9;
	v17 =	vld [tilespmem:s28+$0xFFFFFE9C];
	[tilespmem:v8+s30+$0x0] =	vst.idx.msk $0xffff, v4  }
0x15d: {  	v11 =	vor.u32 v3, v11;
	v8 =	vbroadcast v10, $0x0;
	v4 =	vadd.s32 $0xA00, v6;
	v10 =	vld [tilespmem:s28+$0xFFFFFF1C];
	[tilespmem:s12+$0xFFFFFE80] =	vst v12  }
0x15e: {  	v19 =	vor.u32 v3, v5;
	v5 =	vadd.s32 $0xA80, v13;
	v9 =	vbroadcast v4, $0x0;
	[tilespmem:s12+$0xFFFFFC80] =	vst v15;
	v15 =	vld [tilespmem:s28+$0xFFFFFF9C]  }
.Ltmp3:
0x15f: {  	v7 =	vadd.s32 $0xB00, v7;
	v6 =	vor.u32 v3, v8;
	v8 =	vbroadcast v5, $0x0;
	v4 =	vld [tilespmem:s28+$0xFFFFFE1C];
	[tilespmem:s12+$0xFFFFFF00] =	vst v14;
	(pc) =	sbr.rel @p0 .LBB2_8-.Ltmp3, $4  }
0x160: {  	v13 =	vbroadcast v7, $0x0;
	v9 =	vor.u32 v3, v9;
	v5 =	vld [tilespmem:s28+$0x1C];
	[tilespmem:s12+$0xFFFFFF80] =	vst v16  }
0x161: {  	v12 =	vor.u32 v3, v8;
	[tilespmem:v18+s30+$0x0] =	vst.idx.msk $0xffff, v17;
	v7 =	vld [tilespmem:s28+$0x9C]  }
0x162: {  	[tilespmem:v11+s30+$0x0] =	vst.idx.msk $0xffff, v10;
	v8 =	vld [tilespmem:s28+$0x11C];
	v11 =	vor.u32 v3, v13;
	s28 =	sadd.s32 $0x400, s28  }
0x163: {  	s0 =	sadd.s32 $0x8, s0;
	v10 =	vld [tilespmem:s28+$0x180];
	[tilespmem:v19+s30+$0x0] =	vst.idx.msk $0xffff, v15  }
0x164: {  	_ =	sdelay $0x3  }
0x165: {  	v13 =	vld [tilespmem:s28+$0xFFFFFE80];
	[tilespmem:v6+s30+$0x0] =	vst.idx.msk $0xffff, v4  }
0x166: {  	v4 =	vld [tilespmem:s28+$0xFFFFFF00];
	[tilespmem:v9+s30+$0x0] =	vst.idx.msk $0xffff, v5  }
0x167: {  	v38 =	vld [tilespmem:s28+$0x0];
	[tilespmem:v12+s30+$0x0] =	vst.idx.msk $0xffff, v7  }
0x168: {  	s0 =	sadd.s32 $0xC00, s12;
	v39 =	vld [tilespmem:s28+$0x80];
	[tilespmem:v11+s30+$0x0] =	vst.idx.msk $0xffff, v8  }
0x169: {  	s9 =	sadd.s32 $0x7, s1;
	v42 =	vmov s1;
	s13 =	sadd.s32 $0x2, s1;
	v44 =	vld [tilespmem:s28+$0xFFFFFE00];
	[tilespmem:s0+$0xFFFFFFF0] =	vst v10  }
0x16a: {  	s12 =	sadd.s32 $0x1, s1;
	v5 =	vld [tilespmem:s28+$0xFFFFFF80];
	v40 =	vmov s9;
	v45 =	vmov s13;
	s13 =	sadd.s32 $0x4, s1;
	[tilespmem:s0+$0xFFFFFCF0] =	vst v13  }
0x16b: {  	v43 =	vmov s12;
	v46 =	vmov s13;
	s13 =	sadd.s32 $0x6, s1;
	v41 =	vld [tilespmem:s28+$0x190];
	[tilespmem:s0+$0xFFFFFD70] =	vst v4  }
0x16c: {  	v8 =	vshrl.u32 v40, $0x3;
	v47 =	vmov s13;
	v11 =	vshrl.u32 v43, $0x3;
	v4 =	vld [tilespmem:s28+$0x100];
	[tilespmem:s0+$0xFFFFFE70] =	vst v38  }
0x16d: {  	v6 =	vshrl.u32 v46, $0x3;
	v8 =	vmul.u32 $0xC00, v8;
	v10 =	vshrl.u32 v42, $0x3;
	[tilespmem:s0+$0xFFFFFEF0] =	vst v39;
	v14 =	vld [tilespmem:s28+$0xFFFFFE90]  }
0x16e: {  	v48 =	vmul.u32 $0xC00, v11;
	v7 =	vshrl.u32 v47, $0x3;
	v6 =	vmul.u32 $0xC00, v6;
	[tilespmem:s0+$0xFFFFFC70] =	vst v44;
	v16 =	vld [tilespmem:s28+$0xFFFFFF10]  }
0x16f: {  	s31 =	sadd.s32 $0x3, s1;
	v10 =	vmul.u32 $0xC00, v10;
	v13 =	vshrl.u32 v45, $0x3;
	v7 =	vmul.u32 $0xC00, v7;
	[tilespmem:s0+$0xFFFFFDF0] =	vst v5;
	v50 =	vld [tilespmem:s28+$0x10]  }
0x170: {  	v5 =	vmov s31;
	s31 =	sadd.s32 $0x5, s1;
	v8 =	vadd.s32 $0xB80, v8;
	v49 =	vmul.u32 $0xC00, v13;
	v52 =	vld [tilespmem:s28+$0xFFFFFE10];
	[tilespmem:s0+$0x0] =	vst v41  }
0x171: {  	v9 =	vadd.s32 $0x880, v48;
	v53 =	vld [tilespmem:s28+$0x90];
	v15 =	vmov s31;
	v8 =	vbroadcast v8, $0x0;
	[tilespmem:s0+$0xFFFFFF70] =	vst v4  }
0x172: {  	v17 =	vld [tilespmem:s28+$0xFFFFFF90];
	v5 =	vshrl.u32 v5, $0x3;
	v9 =	vbroadcast v9, $0x0;
	v51 =	vshrl.u32 v15, $0x3;
	[tilespmem:s0+$0xFFFFFD00] =	vst v14  }
0x173: {  	v5 =	vmul.u32 $0xC00, v5;
	v11 =	vadd.s32 $0x900, v49;
	v8 =	vor.u32 v3, v8;
	v4 =	vld [tilespmem:s28+$0x19C];
	[tilespmem:s0+$0xFFFFFD80] =	vst v16  }
0x174: {  	v6 =	vadd.s32 $0xA00, v6;
	v13 =	vmul.u32 $0xC00, v51;
	v11 =	vbroadcast v11, $0x0;
	v54 =	vld [tilespmem:s28+$0x110];
	[tilespmem:s0+$0xFFFFFE80] =	vst v50  }
0x175: {  	v6 =	vbroadcast v6, $0x0;
	v9 =	vor.u32 v3, v9;
	v5 =	vadd.s32 $0x980, v5;
	[tilespmem:s0+$0xFFFFFC80] =	vst v52;
	v55 =	vld [tilespmem:s28+$0xFFFFFE9C]  }
0x176: {  	v5 =	vbroadcast v5, $0x0;
	v57 =	vor.u32 v3, v11;
	v59 =	vadd.s32 $0xA80, v13;
	[tilespmem:s0+$0xFFFFFF00] =	vst v53;
	v56 =	vld [tilespmem:s28+$0xFFFFFF1C]  }
0x177: {  	v7 =	vadd.s32 $0xB00, v7;
	v6 =	vor.u32 v3, v6;
	[tilespmem:s0+$0xFFFFFE00] =	vst v17;
	v12 =	vbroadcast v59, $0x0;
	v61 =	vld [tilespmem:s28+$0x1C]  }
0x178: {  	v10 =	vadd.s32 $0x800, v10;
	v7 =	vbroadcast v7, $0x0;
	v58 =	vld [tilespmem:s28+$0xFFFFFF9C];
	v5 =	vor.u32 v3, v5;
	[tilespmem:v8+s30+$0x0] =	vst.idx.msk $0xffff, v4  }
0x179: {  	v62 =	vld [tilespmem:s28+$0x9C];
	v12 =	vor.u32 v3, v12;
	v4 =	vbroadcast v10, $0x0;
	[tilespmem:s0+$0xFFFFFF80] =	vst v54  }
0x17a: {  	v7 =	vor.u32 v3, v7;
	[tilespmem:v9+s30+$0x0] =	vst.idx.msk $0xffff, v55;
	v63 =	vld [tilespmem:s28+$0x11C]  }
0x17b: {  	s24 =	sadd.s32 $0x1, s24;
	v60 =	vld [tilespmem:s28+$0xFFFFFE1C];
	[tilespmem:v57+s30+$0x0] =	vst.idx.msk $0xffff, v56;
	v4 =	vor.u32 v3, v4  }
0x17c: {  	p0 =	sne.s32 s24, $0x280;
	[tilespmem:v6+s30+$0x0] =	vst.idx.msk $0xffff, v61  }
.Ltmp4:
0x17d: {  	s31 =	sshrl.u32 s25, $0x3;
	[tilespmem:v5+s30+$0x0] =	vst.idx.msk $0xffff, v58;
	(pc) =	sbr.rel @p0 .LBB2_2-.Ltmp4, $4  }
0x17e: {  	s0 =	smul.u32 $0x180, s31;
	[tilespmem:v12+s30+$0x0] =	vst.idx.msk $0xffff, v62  }
0x17f: {  	[tilespmem:v7+s30+$0x0] =	vst.idx.msk $0xffff, v63  }
0x180: {  	s0 =	sadd.s32 s7, s0;
	[tilespmem:v4+s30+$0x0] =	vst.idx.msk $0xffff, v60  }
0x181: {  	[hbm4b:s0+s3] =	stream.linear.scatter [tilespmem:s30], [sflag:$0x6], $0x7800, $0x38;
	[tilespmem:$0x14100] =	vst v63  }
0x182: {  	_ =	swait.ge [sflag:s23], $0x7800  }
0x183: {  	[sflag:s23] =	ssyncset.done $0x0  }
0x184: {  	s1 =	simm.s32 $0x6;
	[sflag:s23] =	ssyncadd.s32 $0xFFFF8800  }
0x185: {  	_ =	swait.ge [sflag:s1], $0x7800  }
0x186: {  	s9 =	rddreg [dreg:$0x7]  }
0x187: {  	s0 =	rddreg [dreg:$0x6];
	s9 =	sadd.s32 $0x1, s9  }
0x188: {  	p0 =	sne.s32 s9, s0  }
.Ltmp5:
0x189: {  	_ = 	snop;
	(pc) =	sbr.rel @p0 .LBB2_1-.Ltmp5, $3  }
0x18a: {  	_ =	sdelay $0x1  }
0x18b: {  	[sflag:s1] =	ssyncset.done $0x0  }
0x18c: {  	[sflag:s1] =	ssyncadd.s32 $0xFFFF8800  }
0x18d: {  	_ =	sfence.sel $0x180000  }
0x18e: {  	[bflag:$0x0] =	sbarrier.arrive $0xFFFF  }
0x18f: {  	_ =	strace $0x9000004A  }
0x190: {  	s0 =	stileid.u32;
	[bflag:$0x2] =	sbarrier.arrive $0xFFFF  }
0x191: {  	p0 =	sne.s32 s0, $0x0;
	s0 =	rddreg [dreg:$0x2]  }
0x192: {  	s0 =	sadd.s32 @!p0 $0x100000, s0  }
0x193: {  	[sflag:s0] =	ssyncadd.tile.s32 @!p0 $0x1;
	_ =	shalt  }
.Lfunc_end2:
_tile_overlayer_lowered:
.L_overlay_start_2:
0x194: {  	(tag) =	ssettag $0x2  }
0x195: {  	s0 =	rddreg [dreg:$0x0];
	s2 =	stileid.u32  }
0x196: {  	s1 =	rddreg [dreg:$0x1];
	p0 =	sne.s32 s2, $0x0  }
0x197: {  	s3 =	rddreg [dreg:$0x2];
	[bflag:$0x3] =	sbarrier.arrive $0xFFFF;
	s2 =	simm.s32 @!p0 $0x1C07  }
0x198: {  	[timem:s3], [sflag:s2] =	dma.local @!p0 [hbm:s0], s1  }
0x199: {  	s0 =	simm.s32 @!p0 $0x7  }
0x19a: {  	_ =	swait.ge @!p0 [sflag:s0], s1  }
0x19b: {  	s1 =	ssub.s32 @!p0 $0x0, s1;
	[sflag:s0] =	ssyncset.done @!p0 $0x0  }
0x19c: {  	[sflag:s0] =	ssyncadd.s32 @!p0 s1  }
0x19d: {  	[bflag:$0x3] =	sbarrier.arrive $0xFFFF  }
0x19e: {  	_ =	shalt  }

// kernel: sparse-core-data-format-call.1.cloned.1.call-start
scs
called_computation.1_lowered:
.L_overlay_start_0:
0x0: {  	s1 =	sld [smem:$0x3FD9]  }
0x1: {  	s2 =	sld [smem:$0x3FFE];
	_ =	sdelay $0x1  }
0x2: {  	s3 =	srdreg.scid  }
0x3: {  	s0 =	sand.u32 $0x1, s3  }
0x4: {  	s17 =	sshll.u32 s0, $0xA;
	s1 =	sadd.s32 s2, s1  }
0x5: {  	s1 =	sadd.s32 s1, s17  }
0x6: {  	[smem:$0x3FC6] =	sst s1  }
0x7: {  	_ = 	snop  }
0x8: {  	(tm) =	ssettm $0x1  }
0x9: {  	s18 =	sld [smem:$0x3FFB];
	_ =	sdelay $0x3  }
0xa: {  	_ =	strace s18  }
0xb: {  	s1 =	sld [smem:$0x3FFC];
	_ =	sdelay $0x3  }
0xc: {  	_ =	strace s1  }
0xd: {  	s1 =	sld [smem:$0x3FFD];
	_ =	sdelay $0x3  }
0xe: {  	_ =	strace s1  }
0xf: {  	_ =	strace $0x8FFFFFFF  }
0x10: {  	s19 =	sld [smem:$0x3FDB];
	_ =	sdelay $0x1  }
0x11: {  	s20 =	simm.s32 $_scs_section_size  }
0x12: {  	s4 =	simm.s32 $_size__tile_overlayer_lowered;
	s5 =	simm.s32 $_tile_overlayer_lowered  }
0x13: {  	s23 =	simm.s32 $0x1BFF;
	s22 =	sshll.u32 s5, $0x1;
	s1 =	sadd.s32 s20, s19  }
0x14: {  	s6 =	simm.s32 $0x0;
	s21 =	sshll.u32 s4, $0x1;
	s4 =	sadd.s32 s22, s1  }
0x15: {  	[timem:s6], [sflag:s23] =	dma.local [hbm:s4], s21  }
0x16: {  	_ =	swait.ge [sflag:s23], s21  }
0x17: {  	s2 =	ssub.s32 $0x0, s21;
	[sflag:s23] =	ssyncset.done $0x0  }
0x18: {  	[sflag:s23] =	ssyncadd.s32 s2;
	_ =	sdelay $0x1  }
0x19: {  	s24 =	simm.s32 $0x1B8B  }
0x1a: {  	_ =	swait.ge [sflag:s24], $0x1  }
0x1b: {  	[sflag:s24] =	ssyncset.done $0x0  }
0x1c: {  	s26 =	simm.s32 $0x1B8E;
	s25 =	sld [smem:$0x3FFE];
	[sflag:s24] =	ssyncadd.s32 $0xFFFFFFFF  }
0x1d: {  	s27 =	simm.s32 $execute0_lowered;
	[smem:$0x3FD2] =	sst s26  }
0x1e: {  	s4 =	sshll.u32 s27, $0x1;
	_ =	strace $0x80000046;
	[dreg:$0x1] =	wrdreg $0xFFFFFFFF  }
0x1f: {  	s28 =	simm.s32 $_size_execute0_lowered;
	s1 =	sadd.s32 s1, s4;
	[dreg:$0x0] =	wrdreg $0x0  }
0x20: {  	s4 =	sshll.u32 s28, $0x1;
	[dreg:$0x2] =	wrdreg s1  }
0x21: {  	[dreg:$0x3] =	wrdreg s4  }
0x22: {  	[dreg:$0x4] =	wrdreg $0xC0  }
0x23: {  	_ =	task [dreg:s6], $0x5FFFF  }
0x24: {  	[dreg:$0x1] =	wrdreg $0xFFFFFFFF  }
0x25: {  	[dreg:$0x0] =	wrdreg $0x60  }
0x26: {  	[dreg:$0x2] =	wrdreg s25  }
0x27: {  	[dreg:$0x3] =	wrdreg $0x9  }
0x28: {  	_ =	task.clear_ibuf [dreg:s6], $0x4FFFF;
	_ =	strace $0x90000046  }
0x29: {  	s29 =	simm.s32 $0x9;
	_ =	strace $0x80000048  }
0x2a: {  	_ =	swait.ge [sflag:s29], $0x1  }
0x2b: {  	[sflag:s29] =	ssyncadd.s32 $0xFFFFFFFF  }
0x2c: {  	_ =	strace $0x90000048  }
0x2d: {  	_ =	sfence  }
0x2e: {  	s30 =	sld [smem:$0x0];
	_ =	sdelay $0x2  }
0x2f: {  	s31 =	sshll.u32 s3, $0xD;
	s3 =	sshrl.u32 s3, $0x2  }
0x30: {  	s2 =	sand.u32 $0x4000, s31;
	s1 =	sadd.s32 s3, s30  }
0x31: {  	s0 =	sor.u32 s2, s0;
	s1 =	sshll.u32 s1, $0x11  }
0x32: {  	s0 =	sor.u32 s1, s0  }
0x33: {  	s0 =	sadd.s32 $0x8F2B, s0  }
0x34: {  	[sflag:s0] =	ssyncadd.remote.s32 $0x1  }
0x35: {  	_ =	sfence.sel $0xFFFF  }
0x36: {  	[dreg:$0x0] =	wrdreg $0xFFFFFFFF;
	(pc) =	sbr.abs _section_cstart, $3  }
0x37: {  	[dreg:$0x1] =	wrdreg $0xFFFFFFFF  }
0x38: {  	_ =	task.clear_ibuf [dreg:s6], $0x2FFFF;
	_ =	strace $0x9FFFFFFF  }
0x39: {  	(tm) =	ssettm $0x7FFFFFFF  }
tec
execute0_lowered:
.L_overlay_start_1:
0x0: {  	(tag) =	ssettag $0x1  }
0x1: {  	s0 =	srdreg.scid  }
0x2: {  	s4 =	rddreg [dreg:$0x0];
	s1 =	stileid.u32  }
0x3: {  	s5 =	simm.s32 $0x1;
	s7 =	simm.s32 $0x2;
	s14 =	simm.s32 $0x0  }
0x4: {  	p0 =	por $0x0, $0x0;
	s13 =	simm.s32 $0x0;
	s0 =	sshll.u32 s0, $0x4  }
0x5: {  	s8 =	simm.s32 $0x0;
	s9 =	simm.s32 $0x0;
	s2 =	sand.u32 $0x10, s0  }
.Ltmp0:
0x6: {  	s11 =	simm.s32 $0x0;
	s3 =	sor.u32 s1, s2;
	(pc) =	sbr.rel .LBB1_1-.Ltmp0, $4  }
0x7: {  	s12 =	simm.s32 $0x0;
	s0 =	rddreg [dreg:$0x1];
	s3 =	sshll.u32 s3, $0x7  }
0x8: {  	_ =	strace $0x80000047;
	s2 =	sadd.s32 $0xE00, s4;
	s6 =	ssub.s32 $0x18680, s3  }
0x9: {  	s4 =	sadd.s32 $0x187E00, s4;
	[sflag:s5] =	ssyncpa.u1 $0x0;
	s6 =	sshrl.u32 s6, $0xC  }
0xa: {  	[sflag:s7] =	ssyncpa.u1 $0x0;
	s10 =	smov.u32 s3;
	s7 =	sadd.s32 $0x2, s6  }
.LBB1_5:
0xb: {  	p1 =	slt.u32 s12, $0x2  }
0xc: {  	p2 =	sgt.s32 @!p1 s14, $0x18620  }
0xd: {  	s15 =	smov.u32 s14;
	s16 =	sshra.s32 @!p1 s14, $0x1F;
	p2 =	por !p2, p1  }
0xe: {  	s14 =	sand.u32 @!p1 s16, s14;
	s15 =	simm.s32 @p2 $0x18620  }
0xf: {  	s14 =	ssub.s32 @!p1 s15, s14;
	s15 =	ssub.s32 @!p1 $0x0, s13  }
0x10: {  	s17 =	smov.u32 s11;
	s16 =	sadd.s32 @!p1 $0xFFFE79E0, s14;
	s13 =	smin.u32 @!p1 s13, s15  }
0x11: {  	s14 =	ssub.s32 @!p1 $0x186A0, s14;
	p2 =	sgt.s32 @!p1 s16, $0x7F;
	p3 =	sgt.s32 @!p1 s13, $0x7F  }
0x12: {  	s13 =	ssub.s32 @!p1 $0x80, s13;
	p2 =	por !p2, p1;
	p3 =	por !p3, p1  }
0x13: {  	s15 =	sadd.s32 $0x1000, s10;
	s14 =	simm.s32 @!p2 $0x0;
	s13 =	simm.s32 @!p3 $0x0  }
0x14: {  	p2 =	sgt.s32 s15, $0x1869F;
	s13 =	smul.u32 @!p1 s13, s14;
	s14 =	sadd.s32 $0x80, s11  }
0x15: {  	s17 =	smov.u32 @p2 s14  }
0x16: {  	s15 =	smov.u32 @p2 s3;
	p2 =	sgt.s32 s17, $0x7B  }
0x17: {  	s17 =	simm.s32 @p2 $0x0;
	p2 =	sne.s32 s12, s7  }
.Ltmp1:
0x18: {  	p0 =	por !p0, !p0;
	s16 =	simm.s32 @!p1 $0x2;
	(pc) =	sbr.rel @!p2 .LBB1_6-.Ltmp1, $4  }
0x19: {  	s14 =	smov.u32 s8;
	s8 =	smov.u32 s10;
	s13 =	sand.u32 @!p1 $0x3FFFFFFF, s13  }
0x1a: {  	s10 =	smov.u32 s15;
	_ =	swait.ge @!p1 [sflag:s16], s13;
	s18 =	ssub.s32 @!p1 $0x0, s13  }
0x1b: {  	s13 =	smov.u32 s9;
	s12 =	sadd.s32 $0x1, s12;
	[sflag:s16] =	ssyncset.done @!p1 $0x0  }
0x1c: {  	s9 =	smov.u32 s11;
	s11 =	smov.u32 s17;
	[sflag:s16] =	ssyncadd.s32 @!p1 s18  }
.LBB1_1:
0x1d: {  	p1 =	sgt.u32 s12, s6  }
0x1e: {  	s15 =	sshrl.u32 @!p1 s11, $0x3  }
0x1f: {  	s16 =	sshll.u32 @!p1 s10, $0x3;
	s15 =	smul.u32 @!p1 $0xC3800, s15  }
0x20: {  	s17 =	sshll.u32 @!p1 s11, $0x7;
	s16 =	sand.u32 @!p1 $0xFFFFFC00, s16  }
0x21: {  	s15 =	sadd.s32 @!p1 s15, s16;
	s16 =	sand.u32 @!p1 $0x380, s17  }
0x22: {  	s17 =	sand.u32 @!p1 $0x7F, s10;
	s15 =	sor.u32 @!p1 s16, s15  }
0x23: {  	s16 =	sor.u32 @!p1 s17, s15  }
0x24: {  	s17 =	smulhi.u32 @!p1 $0xA79C7B17, s16;
	_ =	sdelay $0x1  }
0x25: {  	s15 =	smulhi.u32 @!p1 $0xA79C7B17, s15;
	s17 =	sshrl.u32 @!p1 s17, $0x10  }
0x26: {  	s17 =	smul.u32 @!p1 $0x18700, s17  }
0x27: {  	s18 =	sxor.u32 @!p1 $0xFFFFFFFF, s12;
	s15 =	sshrl.u32 @!p1 s15, $0x10  }
0x28: {  	s18 =	sshll.u32 @!p1 s18, $0xE;
	s15 =	sand.u32 @!p1 $0x7F, s15;
	s16 =	ssub.s32 @!p1 s16, s17  }
0x29: {  	s15 =	smul.u32 @!p1 $0x30E0, s15;
	s17 =	sshrl.u32 @!p1 s16, $0x3;
	s16 =	sand.u32 @!p1 $0x7, s16  }
0x2a: {  	s18 =	sand.u32 @!p1 $0x4000, s18;
	s17 =	sadd.s32 @!p1 s2, s17;
	s16 =	sshll.u32 @!p1 s16, $0x12  }
0x2b: {  	s15 =	sadd.s32 @!p1 s15, s17;
	s16 =	sor.u32 @!p1 $0x400, s16;
	s17 =	simm.s32 @!p1 $0xC3800  }
0x2c: {  	[tilespmem:s18], [sflag:$0x1] =	stream.strided.gather @!p1 [hbm4b:s15+s16], $0x4000, s17, s16, $0x38;
	[tilespmem:$0x10100] =	vst v63  }
0x2d: {  	p1 =	seq.s32 s12, $0x0  }
0x2e: {  	p2 =	sge.u32 @!p1 s12, s7  }
0x2f: {  	p1 =	por p1, p2  }
.Ltmp2:
0x30: {  	_ = 	snop;
	(pc) =	sbr.rel @p1 .LBB1_5-.Ltmp2, $1  }
0x31: {  	_ =	sdelay $0x3  }
0x32: {  	s15 =	simm.s32 $0x1  }
0x33: {  	_ =	swait.ge [sflag:s5], $0x4000;
	s15 =	simm.s32 @!p0 $0x0  }
0x34: {  	[sflag:s5] =	ssyncset.done $0x0;
	s16 =	sshll.u32 s15, $0xE  }
0x35: {  	[sflag:s5] =	ssyncadd.s32 $0xFFFFC000;
	s16 =	sor.u32 $0x40, s16  }
0x36: {  	s15 =	smul.u32 $0x10200, s15;
	v0 =	vld [tilespmem:s16+$0x30]  }
0x37: {  	v1 =	vld [tilespmem:s16+$0xFFFFFFD0]  }
0x38: {  	s15 =	sshrl.u32 s15, $0x2;
	v5 =	vld [tilespmem:s16+$0xFFFFFFE0]  }
0x39: {  	v6 =	vld [tilespmem:s16+$0xFFFFFFF0];
	s18 =	sor.u32 $0x8000, s15  }
0x3a: {  	s31 =	sand.u32 $0x1, s12;
	v4 =	vld [tilespmem:s16+$0x0];
	s17 =	sadd.s32 $0x0, s18  }
0x3b: {  	v3 =	vld [tilespmem:s16+$0x10];
	s15 =	smul.u32 $0x10200, s31;
	[tilespmem:s17+$0x3870 ss:$0x81] =	vst.msk $0xffff, v0  }
0x3c: {  	v2 =	vld [tilespmem:s16+$0x20];
	[tilespmem:s17+$0x810 ss:$0x81] =	vst.msk $0xffff, v1  }
0x3d: {  	s15 =	sshrl.u32 s15, $0x2;
	v0 =	vld [tilespmem:s16+$0xFFFFFFC0];
	[tilespmem:s17+$0x1020 ss:$0x81] =	vst.msk $0xffff, v5;
	s16 =	sadd.s32 $0x80, s16  }
0x3e: {  	s19 =	simm.s32 $0x4;
	s20 =	simm.s32 $0x8;
	s15 =	sor.u32 $0x8000, s15;
	[tilespmem:s17+$0x1830 ss:$0x81] =	vst.msk $0xffff, v6;
	v1 =	vld [tilespmem:s16+$0x30]  }
.LBB1_3:
0x3f: {  	p1 =	sne.s32 s20, $0x1FC;
	v5 =	vld [tilespmem:s16+$0xFFFFFFD0];
	[tilespmem:s17+$0x2040 ss:$0x81] =	vst.msk $0xffff, v4  }
0x40: {  	v6 =	vld [tilespmem:s16+$0xFFFFFFE0];
	[tilespmem:s17+$0x2850 ss:$0x81] =	vst.msk $0xffff, v3  }
0x41: {  	s21 =	sshra.s32 s19, $0x2;
	s19 =	smov.u32 s20;
	v7 =	vld [tilespmem:s16+$0xFFFFFFF0];
	[tilespmem:s17+$0x3060 ss:$0x81] =	vst.msk $0xffff, v2  }
.Ltmp3:
0x42: {  	v4 =	vld [tilespmem:s16+$0x0];
	[tilespmem:s17+$0x0 ss:$0x81] =	vst.msk $0xffff, v0;
	s17 =	sadd.s32 s21, s18;
	(pc) =	sbr.rel @p1 .LBB1_3-.Ltmp3, $4  }
0x43: {  	v3 =	vld [tilespmem:s16+$0x10];
	[tilespmem:s17+$0x3870 ss:$0x81] =	vst.msk $0xffff, v1  }
0x44: {  	[tilespmem:s17+$0x810 ss:$0x81] =	vst.msk $0xffff, v5;
	v2 =	vld [tilespmem:s16+$0x20]  }
0x45: {  	v0 =	vld [tilespmem:s16+$0xFFFFFFC0];
	[tilespmem:s17+$0x1020 ss:$0x81] =	vst.msk $0xffff, v6;
	s16 =	sadd.s32 $0x80, s16  }
0x46: {  	s20 =	sadd.s32 $0x4, s20;
	v1 =	vld [tilespmem:s16+$0x30];
	[tilespmem:s17+$0x1830 ss:$0x81] =	vst.msk $0xffff, v7  }
0x47: {  	s20 =	sshll.u32 s8, $0x7;
	s21 =	sshll.u32 s9, $0x3;
	s19 =	sshra.s32 s19, $0x2  }
0x48: {  	v5 =	vld [tilespmem:s16+$0xFFFFFFD0];
	[tilespmem:s17+$0x2040 ss:$0x81] =	vst.msk $0xffff, v4;
	p1 =	sgt.s32 s8, $0x18620;
	s22 =	sand.u32 $0xFFFFFC00, s20;
	s21 =	sand.u32 $0xFFFFFC00, s21  }
0x49: {  	v58 =	vld [tilespmem:s16+$0xFFFFFFE0];
	s24 =	sshra.s32 s8, $0x1F;
	s20 =	sand.u32 $0x380, s20;
	[tilespmem:s17+$0x2850 ss:$0x81] =	vst.msk $0xffff, v3;
	s21 =	sadd.s32 s21, s22  }
0x4a: {  	v59 =	vld [tilespmem:s16+$0xFFFFFFF0];
	s26 =	ssub.s32 $0x0, s9;
	s18 =	sadd.s32 s19, s18;
	[tilespmem:s17+$0x3060 ss:$0x81] =	vst.msk $0xffff, v2;
	s23 =	sor.u32 s20, s21  }
0x4b: {  	v60 =	vld [tilespmem:s16+$0x0];
	s28 =	smin.u32 s9, s26;
	s20 =	smov.u32 s8;
	[tilespmem:s17+$0x0 ss:$0x81] =	vst.msk $0xffff, v0;
	s19 =	sshrl.u32 s23, $0x7  }
0x4c: {  	v61 =	vld [tilespmem:s16+$0x10];
	s21 =	sand.u32 s24, s8;
	s20 =	simm.s32 @!p1 $0x18620;
	[tilespmem:s18+$0x3870 ss:$0x81] =	vst.msk $0xffff, v1;
	s25 =	smulhi.u32 $0x14F8B59, s19  }
0x4d: {  	v62 =	vld [tilespmem:s16+$0x20];
	s29 =	sshrl.u32 s9, $0x3;
	p2 =	sgt.s32 s28, $0x7F;
	s20 =	ssub.s32 s20, s21;
	[tilespmem:s18+$0x810 ss:$0x81] =	vst.msk $0xffff, v5  }
0x4e: {  	v63 =	vld [tilespmem:s16+$0xFFFFFFC0];
	[tilespmem:s18+$0x1020 ss:$0x81] =	vst.msk $0xffff, v58;
	s21 =	sadd.s32 $0xFFFE79E0, s20;
	s20 =	ssub.s32 $0x186A0, s20;
	s17 =	sshrl.u32 s25, $0x9  }
0x4f: {  	[tilespmem:s18+$0x1830 ss:$0x81] =	vst.msk $0xffff, v59;
	p1 =	sgt.s32 s21, $0x7F;
	s27 =	smul.u32 $0x186A0, s17;
	s17 =	ssub.s32 $0x80, s28  }
.Ltmp4:
0x50: {  	[tilespmem:s18+$0x2040 ss:$0x81] =	vst.msk $0xffff, v60;
	s20 =	simm.s32 @p1 $0x0;
	s17 =	simm.s32 @p2 $0x0;
	(pc) =	sbr.rel .LBB1_5-.Ltmp4, $4  }
0x51: {  	s30 =	sand.u32 $0xF, s29;
	[tilespmem:s18+$0x2850 ss:$0x81] =	vst.msk $0xffff, v61;
	s16 =	ssub.s32 s19, s27;
	s17 =	smul.u32 s17, s20  }
0x52: {  	[tilespmem:s18+$0x3060 ss:$0x81] =	vst.msk $0xffff, v62;
	s19 =	sadd.s32 s4, s30;
	s16 =	sshll.u32 s16, $0x4  }
0x53: {  	s31 =	sand.u32 $0x7, s9;
	[tilespmem:s18+$0x0 ss:$0x81] =	vst.msk $0xffff, v63;
	s17 =	sand.u32 $0x3FFFFFFF, s17;
	s16 =	sadd.s32 s16, s19  }
0x54: {  	[hbm4b:s16+s31] =	stream.linear.scatter [tilespmem:s15], [sflag:$0x2], s17, $0x20;
	[tilespmem:$0x10100] =	vst v63  }
.LBB1_6:
0x55: {  	_ =	sfence.sel $0x180000  }
0x56: {  	s2 =	simm.s32 $0x1;
	[bflag:$0x0] =	sbarrier.arrive $0xFFFF  }
0x57: {  	s31 =	simm.s32 $0x2;
	[sflag:s2] =	ssyncpa.u1 $0x1  }
0x58: {  	[sflag:s31] =	ssyncpa.u1 $0x1  }
0x59: {  	p0 =	sne.s32 s1, $0x0;
	_ =	strace $0x90000047  }
0x5a: {  	s0 =	sadd.s32 @!p0 $0x100000, s0;
	[bflag:$0x2] =	sbarrier.arrive $0xFFFF  }
0x5b: {  	[sflag:s0] =	ssyncadd.tile.s32 @!p0 $0x1;
	_ =	shalt  }
.Lfunc_end1:
_tile_overlayer_lowered:
.L_overlay_start_2:
0x5c: {  	(tag) =	ssettag $0x2  }
0x5d: {  	s0 =	rddreg [dreg:$0x0];
	s2 =	stileid.u32  }
0x5e: {  	s1 =	rddreg [dreg:$0x1];
	p0 =	sne.s32 s2, $0x0  }
0x5f: {  	s3 =	rddreg [dreg:$0x2];
	[bflag:$0x3] =	sbarrier.arrive $0xFFFF;
	s2 =	simm.s32 @!p0 $0x1C01  }
0x60: {  	[timem:s3], [sflag:s2] =	dma.local @!p0 [hbm:s0], s1  }
0x61: {  	s0 =	simm.s32 @!p0 $0x1  }
0x62: {  	_ =	swait.ge @!p0 [sflag:s0], s1  }
0x63: {  	s1 =	ssub.s32 @!p0 $0x0, s1;
	[sflag:s0] =	ssyncset.done @!p0 $0x0  }
0x64: {  	[sflag:s0] =	ssyncadd.s32 @!p0 s1  }
0x65: {  	[bflag:$0x3] =	sbarrier.arrive $0xFFFF  }
0x66: {  	_ =	shalt  }

// kernel: sparse-core-data-format-call.cloned.1.call-start
scs
called_computation_lowered:
.L_overlay_start_0:
0x0: {  	s2 =	sld [smem:$0x3FD9]  }
0x1: {  	s3 =	sld [smem:$0x3FFE];
	_ =	sdelay $0x1  }
0x2: {  	s1 =	srdreg.scid  }
0x3: {  	s0 =	sand.u32 $0x1, s1  }
0x4: {  	s18 =	sshll.u32 s0, $0xA;
	s2 =	sadd.s32 s3, s2  }
0x5: {  	s2 =	sadd.s32 s2, s18  }
0x6: {  	[smem:$0x3FC6] =	sst s2  }
0x7: {  	_ = 	snop  }
0x8: {  	s2 =	sld [smem:$0x3FD0];
	(tm) =	ssettm $0x1  }
0x9: {  	s19 =	sld [smem:$0x3FFB];
	_ =	sdelay $0x3  }
0xa: {  	_ =	strace s19  }
0xb: {  	s3 =	sld [smem:$0x3FFC];
	_ =	sdelay $0x3  }
0xc: {  	_ =	strace s3  }
0xd: {  	s3 =	sld [smem:$0x3FFD];
	_ =	sdelay $0x3  }
0xe: {  	_ =	strace s3  }
0xf: {  	_ =	strace $0x8FFFFFFF  }
0x10: {  	s20 =	sld [smem:$0x3FDB];
	_ =	sdelay $0x1  }
0x11: {  	s4 =	simm.s32 $_scs_section_size  }
0x12: {  	s5 =	simm.s32 $_size__tile_overlayer_lowered;
	s6 =	simm.s32 $_tile_overlayer_lowered  }
0x13: {  	s23 =	simm.s32 $0x1BFF;
	s22 =	sshll.u32 s6, $0x1;
	s3 =	sadd.s32 s4, s20  }
0x14: {  	s7 =	simm.s32 $0x0;
	s21 =	sshll.u32 s5, $0x1;
	s5 =	sadd.s32 s22, s3  }
0x15: {  	[timem:s7], [sflag:s23] =	dma.local [hbm:s5], s21  }
0x16: {  	_ =	swait.ge [sflag:s23], s21  }
0x17: {  	s4 =	ssub.s32 $0x0, s21;
	[sflag:s23] =	ssyncset.done $0x0  }
0x18: {  	[sflag:s23] =	ssyncadd.s32 s4;
	_ =	sdelay $0x1  }
0x19: {  	s24 =	simm.s32 $0x1B8B  }
0x1a: {  	_ =	swait.ge [sflag:s24], $0x1  }
0x1b: {  	[sflag:s24] =	ssyncset.done $0x0  }
0x1c: {  	s26 =	simm.s32 $0x1B8E;
	s25 =	sld [smem:$0x3FFE];
	[sflag:s24] =	ssyncadd.s32 $0xFFFFFFFF  }
0x1d: {  	s27 =	simm.s32 $execute0_lowered;
	[smem:$0x3FD2] =	sst s26  }
0x1e: {  	s5 =	sshll.u32 s27, $0x1;
	_ =	strace $0x8000004C;
	[dreg:$0x1] =	wrdreg $0xFFFFFFFF  }
0x1f: {  	s28 =	simm.s32 $_size_execute0_lowered;
	s3 =	sadd.s32 s3, s5;
	[dreg:$0x0] =	wrdreg $0x0  }
0x20: {  	s5 =	sshll.u32 s28, $0x1;
	[dreg:$0x2] =	wrdreg s3  }
0x21: {  	[dreg:$0x3] =	wrdreg s5  }
0x22: {  	[dreg:$0x4] =	wrdreg $0xC0  }
0x23: {  	_ =	task [dreg:s7], $0x5FFFF  }
0x24: {  	[dreg:$0x1] =	wrdreg $0xFFFFFFFF  }
0x25: {  	[dreg:$0x0] =	wrdreg $0x60  }
0x26: {  	[dreg:$0x2] =	wrdreg s25  }
0x27: {  	[dreg:$0x3] =	wrdreg s2  }
0x28: {  	[dreg:$0x4] =	wrdreg $0x9  }
0x29: {  	_ =	task.clear_ibuf [dreg:s7], $0x5FFFF;
	_ =	strace $0x9000004C  }
0x2a: {  	s29 =	simm.s32 $0x9;
	_ =	strace $0x8000004E  }
0x2b: {  	_ =	swait.ge [sflag:s29], $0x1  }
0x2c: {  	[sflag:s29] =	ssyncadd.s32 $0xFFFFFFFF  }
0x2d: {  	_ =	strace $0x9000004E  }
0x2e: {  	_ =	sfence  }
0x2f: {  	s30 =	sld [smem:$0x0];
	_ =	sdelay $0x2  }
0x30: {  	s31 =	sshll.u32 s1, $0xD;
	s1 =	sshrl.u32 s1, $0x2  }
0x31: {  	s3 =	sand.u32 $0x4000, s31;
	s1 =	sadd.s32 s1, s30  }
0x32: {  	s0 =	sor.u32 s3, s0;
	s1 =	sshll.u32 s1, $0x11  }
0x33: {  	s0 =	sor.u32 s1, s0  }
0x34: {  	s0 =	sadd.s32 $0x8F2B, s0  }
0x35: {  	[sflag:s0] =	ssyncadd.remote.s32 $0x1  }
0x36: {  	_ =	sfence.sel $0xFFFF  }
0x37: {  	[dreg:$0x0] =	wrdreg $0xFFFFFFFF;
	(pc) =	sbr.abs _section_cstart, $3  }
0x38: {  	[dreg:$0x1] =	wrdreg $0xFFFFFFFF  }
0x39: {  	_ =	task.clear_ibuf [dreg:s7], $0x2FFFF;
	_ =	strace $0x9FFFFFFF  }
0x3a: {  	(tm) =	ssettm $0x7FFFFFFF  }
0x3b: {  	_ =	shalt  }
tec
execute0_lowered:
.L_overlay_start_1:
0x0: {  	(tag) =	ssettag $0x1  }
0x1: {  	s0 =	srdreg.scid;
	s6 =	rddreg [dreg:$0x0]  }
0x2: {  	s3 =	rddreg [dreg:$0x1];
	s1 =	sshll.u32 s0, $0x4  }
0x3: {  	s5 =	simm.s32 $0x1;
	s0 =	stileid.u32;
	s1 =	sand.u32 $0x10, s1  }
0x4: {  	s31 =	simm.s32 $0x2;
	s18 =	simm.s32 $0x0;
	s1 =	sor.u32 s0, s1  }
0x5: {  	s8 =	simm.s32 $0x320000;
	s17 =	simm.s32 $0x0;
	s2 =	sshll.u32 s1, $0x7  }
0x6: {  	s16 =	simm.s32 $0x0;
	s9 =	simm.s32 $0x0;
	s4 =	ssub.s32 $0x4000, s2  }
0x7: {  	s10 =	simm.s32 $0x0;
	s11 =	simm.s32 $0x0;
	s30 =	sand.u32 $0xF80, s4  }
0x8: {  	s12 =	simm.s32 $0x0;
	s13 =	simm.s32 $0x0;
	p0 =	sne.s32 s30, $0x0  }
.Ltmp0:
0x9: {  	s7 =	sshrl.u32 s4, $0xC;
	s5 =	simm.s32 @!p0 $0x0;
	(pc) =	sbr.rel .LBB1_1-.Ltmp0, $4  }
0xa: {  	s15 =	simm.s32 $0x0;
	s1 =	rddreg [dreg:$0x2];
	s5 =	sadd.s32 s5, s7  }
0xb: {  	_ =	strace $0x8000004D;
	s4 =	simm.s32 $0x1;
	s5 =	smul.u32 $0x258, s5  }
0xc: {  	s6 =	sadd.s32 $0x67FC00, s6;
	s14 =	smov.u32 s2;
	[sflag:s4] =	ssyncpa.u1 $0x0  }
0xd: {  	[sflag:s31] =	ssyncpa.u1 $0x0;
	p0 =	por $0x0, $0x0;
	s7 =	sor.u32 $0x1, s5  }
.LBB1_4:
0xe: {  	s23 =	sshra.s32 s23, $0x2;
	s24 =	sshll.u32 s10, $0xE  }
0xf: {  	p1 =	sgt.s32 s10, $0xC7;
	s26 =	smov.u32 s10;
	s27 =	sshra.s32 s10, $0x1F  }
0x10: {  	s28 =	smov.u32 s9;
	s29 =	sshra.s32 s11, $0x1F;
	s22 =	sadd.s32 s23, s22  }
0x11: {  	s30 =	sand.u32 $0xFFFE0000, s24;
	s24 =	sshll.u32 s11, $0x3;
	s26 =	simm.s32 @!p1 $0xC7  }
0x12: {  	p1 =	sgt.s32 s9, $0xAC;
	s27 =	sand.u32 s27, s10;
	s31 =	sand.u32 s29, s11  }
0x13: {  	s29 =	sshll.u32 s10, $0x7;
	s25 =	sand.u32 $0xFFFFFC00, s24;
	s28 =	simm.s32 @!p1 $0xAC  }
0x14: {  	p1 =	sgt.s32 s11, $0x3F80;
	s23 =	sadd.s32 s25, s30;
	s25 =	ssub.s32 s26, s27  }
0x15: {  	[tilespmem:s21+$0x2040 ss:$0x81] =	vst.msk $0xffff, v4;
	s27 =	smov.u32 s11;
	s30 =	sshra.s32 s9, $0x1F;
	s26 =	sadd.s32 $0xFFFFFF39, s25  }
0x16: {  	v5 =	vld [tilespmem:s20+$0xFFFFFFD0];
	[tilespmem:s21+$0x2850 ss:$0x81] =	vst.msk $0xffff, v3;
	s27 =	simm.s32 @!p1 $0x3F80;
	s23 =	sshrl.u32 s23, $0xE;
	s25 =	ssub.s32 $0xC8, s25  }
0x17: {  	v58 =	vld [tilespmem:s20+$0xFFFFFFE0];
	[tilespmem:s21+$0x3060 ss:$0x81] =	vst.msk $0xffff, v2;
	p1 =	sgt.s32 s26, $0x0;
	s26 =	ssub.s32 s27, s31;
	s27 =	sand.u32 s30, s9  }
0x18: {  	v59 =	vld [tilespmem:s20+$0xFFFFFFF0];
	[tilespmem:s21+$0x0 ss:$0x81] =	vst.msk $0xffff, v1;
	s21 =	smulhi.u32 $0x147AE15, s23;
	s30 =	sand.u32 $0x78, s11;
	s27 =	ssub.s32 s28, s27  }
0x19: {  	v60 =	vld [tilespmem:s20+$0x0];
	s25 =	simm.s32 @p1 $0x0;
	s31 =	sadd.s32 $0xFFFFC080, s26;
	s26 =	ssub.s32 $0x4000, s26  }
0x1a: {  	v61 =	vld [tilespmem:s20+$0x10];
	[tilespmem:s22+$0x3870 ss:$0x81] =	vst.msk $0xffff, v0;
	p1 =	sgt.s32 s31, $0x7F;
	s28 =	sadd.s32 $0xFFFFFF54, s27;
	s31 =	sand.u32 $0x380, s29  }
0x1b: {  	v62 =	vld [tilespmem:s20+$0x20];
	[tilespmem:s22+$0x810 ss:$0x81] =	vst.msk $0xffff, v5;
	s29 =	sand.u32 $0x3C00, s24;
	s21 =	smul.u32 $0xC8, s21;
	s24 =	ssub.s32 $0x12C, s27  }
0x1c: {  	v63 =	vld [tilespmem:s20+$0xFFFFFFC0];
	[tilespmem:s22+$0x1020 ss:$0x81] =	vst.msk $0xffff, v58;
	s26 =	simm.s32 @p1 $0x0;
	s20 =	sor.u32 s30, s29;
	s30 =	smul.u32 $0x64000, s9  }
0x1d: {  	[tilespmem:s22+$0x1830 ss:$0x81] =	vst.msk $0xffff, v59;
	p1 =	sgt.s32 s28, $0x7F;
	s28 =	sand.u32 $0x7, s11;
	s25 =	smul.u32 s26, s25  }
0x1e: {  	[tilespmem:s22+$0x2040 ss:$0x81] =	vst.msk $0xffff, v60;
	s24 =	simm.s32 @p1 $0x0;
	s20 =	sor.u32 s31, s20;
	s21 =	ssub.s32 s23, s21  }
0x1f: {  	[tilespmem:s22+$0x2850 ss:$0x81] =	vst.msk $0xffff, v61;
	s20 =	sshrl.u32 s20, $0x3;
	s27 =	sadd.s32 s3, s30;
	s31 =	smul.u32 s24, s25  }
0x20: {  	[tilespmem:s22+$0x3060 ss:$0x81] =	vst.msk $0xffff, v62;
	s29 =	sshll.u32 s28, $0x12;
	s21 =	sshll.u32 s21, $0xB;
	s20 =	sadd.s32 s20, s27  }
0x21: {  	[tilespmem:s22+$0x0 ss:$0x81] =	vst.msk $0xffff, v63;
	s20 =	sadd.s32 s21, s20;
	s30 =	sand.u32 $0x3FFFFFFF, s31;
	s31 =	sor.u32 $0x80, s29  }
0x22: {  	[hbm4b:s20+s31] =	stream.strided.scatter [tilespmem:s19], [sflag:$0x2], s30, s8, s31, $0x20;
	[tilespmem:$0x10100] =	vst v63  }
.LBB1_5:
0x23: {  	p1 =	slt.u32 s15, $0x2  }
0x24: {  	p2 =	sgt.s32 @!p1 s18, $0xAC  }
0x25: {  	s19 =	smov.u32 s18;
	s20 =	sshra.s32 @!p1 s18, $0x1F;
	p2 =	por !p2, p1  }
0x26: {  	s18 =	sand.u32 @!p1 s20, s18;
	s19 =	simm.s32 @p2 $0xAC  }
0x27: {  	s20 =	sshra.s32 @!p1 s17, $0x1F;
	p2 =	sgt.s32 @!p1 s17, $0xC7;
	s18 =	ssub.s32 @!p1 s19, s18  }
0x28: {  	p2 =	por !p2, p1;
	s19 =	smov.u32 s17;
	s17 =	sand.u32 @!p1 s20, s17  }
0x29: {  	s20 =	sshra.s32 @!p1 s16, $0x1F;
	s19 =	simm.s32 @p2 $0xC7;
	p2 =	sgt.s32 @!p1 s16, $0x3F80  }
0x2a: {  	s17 =	ssub.s32 @!p1 s19, s17;
	p2 =	por !p2, p1;
	s19 =	smov.u32 s16  }
0x2b: {  	s16 =	sand.u32 @!p1 s20, s16;
	s20 =	sadd.s32 @!p1 $0xFFFFFF39, s17;
	s19 =	simm.s32 @p2 $0x3F80  }
0x2c: {  	p2 =	sgt.s32 @!p1 s20, $0x0;
	s16 =	ssub.s32 @!p1 s19, s16  }
0x2d: {  	s17 =	ssub.s32 @!p1 $0xC8, s17;
	p2 =	por !p2, p1;
	s19 =	sadd.s32 @!p1 $0xFFFFC080, s16  }
0x2e: {  	s17 =	simm.s32 @!p2 $0x0;
	p2 =	sgt.s32 @!p1 s19, $0x7F  }
0x2f: {  	s21 =	smov.u32 s14;
	s16 =	ssub.s32 @!p1 $0x4000, s16;
	p2 =	por !p2, p1  }
0x30: {  	s20 =	sadd.s32 @!p1 $0xFFFFFF54, s18;
	s19 =	sadd.s32 $0x80, s12;
	s16 =	simm.s32 @!p2 $0x0  }
0x31: {  	p2 =	sgt.s32 s19, $0x12B;
	s16 =	smul.u32 @!p1 s16, s17;
	s17 =	simm.s32 $0x1  }
0x32: {  	p0 =	por !p0, !p0;
	p3 =	sgt.s32 @!p1 s20, $0x7F;
	s17 =	simm.s32 @!p2 $0x0  }
0x33: {  	s18 =	ssub.s32 @!p1 $0x12C, s18;
	p3 =	por !p3, p1;
	s20 =	sadd.s32 s17, s13  }
0x34: {  	s18 =	simm.s32 @!p3 $0x0;
	s17 =	sadd.s32 $0x1000, s14;
	p3 =	sgt.s32 s20, $0xC7  }
0x35: {  	s22 =	simm.s32 @!p1 $0x2;
	s19 =	simm.s32 @p2 $0x0;
	s21 =	smov.u32 @p3 s17  }
0x36: {  	s16 =	smul.u32 @!p1 s18, s16;
	s18 =	smov.u32 s9;
	p2 =	sgt.s32 s21, $0x3FFF  }
0x37: {  	s9 =	smov.u32 s12;
	s21 =	smov.u32 @p2 s2;
	p2 =	sne.s32 s15, s7  }
.Ltmp1:
0x38: {  	s12 =	smov.u32 s19;
	s16 =	sand.u32 @!p1 $0x3FFFFFFF, s16;
	(pc) =	sbr.rel @!p2 .LBB1_6-.Ltmp1, $4  }
0x39: {  	s20 =	simm.s32 @p3 $0x0;
	s17 =	smov.u32 s10;
	s10 =	smov.u32 s13  }
0x3a: {  	_ =	swait.ge @!p1 [sflag:s22], s16;
	s23 =	ssub.s32 @!p1 $0x0, s16;
	s16 =	smov.u32 s11  }
0x3b: {  	s11 =	smov.u32 s14;
	s13 =	smov.u32 s20;
	[sflag:s22] =	ssyncset.done @!p1 $0x0  }
0x3c: {  	s15 =	sadd.s32 $0x1, s15;
	[sflag:s22] =	ssyncadd.s32 @!p1 s23;
	s14 =	smov.u32 s21  }
.LBB1_1:
0x3d: {  	p1 =	sge.u32 s15, s5  }
0x3e: {  	s19 =	sshrl.u32 @!p1 s13, $0x3  }
0x3f: {  	s20 =	sshll.u32 @!p1 s12, $0x3;
	s19 =	smul.u32 @!p1 $0xC00, s19  }
0x40: {  	s21 =	sshll.u32 @!p1 s13, $0x7;
	s20 =	sand.u32 @!p1 $0xFFFFFC00, s20  }
0x41: {  	s19 =	sadd.s32 @!p1 s19, s20;
	s20 =	sand.u32 @!p1 $0x380, s21  }
0x42: {  	s19 =	sor.u32 @!p1 s20, s19  }
0x43: {  	s20 =	sand.u32 @!p1 $0x7F, s12;
	s21 =	smulhi.u32 @!p1 $0xAAAAAAAB, s19  }
0x44: {  	s19 =	sor.u32 @!p1 s20, s19  }
0x45: {  	s20 =	smulhi.u32 @!p1 $0xAAAAAAAB, s19;
	s21 =	sshrl.u32 @!p1 s21, $0x8  }
0x46: {  	s22 =	smulhi.u32 @!p1 $0x147AE15, s21;
	_ =	sdelay $0x1  }
0x47: {  	s20 =	sshrl.u32 @!p1 s20, $0x8;
	s22 =	smul.u32 @!p1 $0xC8, s22  }
0x48: {  	s31 =	sadd.s32 $0xFFFFFFFF, s15;
	s20 =	smul.u32 @!p1 $0x180, s20  }
0x49: {  	s23 =	sxor.u32 @!p1 $0xFFFFFFFF, s15;
	s21 =	ssub.s32 @!p1 s21, s22;
	s22 =	smul.u32 @!p1 $0x2580, s14  }
0x4a: {  	s23 =	sshll.u32 @!p1 s23, $0xE;
	s19 =	ssub.s32 @!p1 s19, s20;
	s20 =	smul.u32 @!p1 $0x30, s21  }
0x4b: {  	s21 =	sand.u32 @!p1 $0x4000, s23;
	s23 =	sand.u32 @!p1 $0x7, s19;
	s22 =	sadd.s32 @!p1 s6, s22  }
0x4c: {  	s19 =	sshrl.u32 @!p1 s19, $0x3;
	s20 =	sadd.s32 @!p1 s20, s22;
	s22 =	sshll.u32 @!p1 s23, $0x12  }
0x4d: {  	s19 =	sadd.s32 @!p1 s19, s20;
	s20 =	sor.u32 @!p1 $0x80, s22;
	s22 =	simm.s32 @!p1 $0x12C00  }
0x4e: {  	[tilespmem:s21], [sflag:$0x1] =	stream.strided.gather @!p1 [hbm4b:s19+s20], $0x4000, s22, s20, $0x38;
	[tilespmem:$0x10100] =	vst v63  }
0x4f: {  	p1 =	sge.u32 s31, s5  }
.Ltmp2:
0x50: {  	_ = 	snop;
	(pc) =	sbr.rel @p1 .LBB1_5-.Ltmp2, $1  }
0x51: {  	_ =	sdelay $0x3  }
0x52: {  	s19 =	simm.s32 $0x1  }
0x53: {  	_ =	swait.ge [sflag:s4], $0x4000;
	s19 =	simm.s32 @!p0 $0x0  }
0x54: {  	[sflag:s4] =	ssyncset.done $0x0;
	s20 =	sshll.u32 s19, $0xE  }
0x55: {  	[sflag:s4] =	ssyncadd.s32 $0xFFFFC000;
	s20 =	sor.u32 $0x40, s20  }
0x56: {  	s19 =	smul.u32 $0x10200, s19;
	v0 =	vld [tilespmem:s20+$0x30]  }
0x57: {  	v1 =	vld [tilespmem:s20+$0xFFFFFFD0]  }
0x58: {  	s19 =	sshrl.u32 s19, $0x2;
	v5 =	vld [tilespmem:s20+$0xFFFFFFE0]  }
0x59: {  	v6 =	vld [tilespmem:s20+$0xFFFFFFF0];
	s22 =	sor.u32 $0x8000, s19  }
0x5a: {  	s31 =	sand.u32 $0x1, s15;
	v4 =	vld [tilespmem:s20+$0x0];
	s21 =	sadd.s32 $0x0, s22  }
0x5b: {  	v3 =	vld [tilespmem:s20+$0x10];
	s19 =	smul.u32 $0x10200, s31;
	[tilespmem:s21+$0x3870 ss:$0x81] =	vst.msk $0xffff, v0  }
0x5c: {  	v2 =	vld [tilespmem:s20+$0x20];
	[tilespmem:s21+$0x810 ss:$0x81] =	vst.msk $0xffff, v1  }
0x5d: {  	s19 =	sshrl.u32 s19, $0x2;
	v1 =	vld [tilespmem:s20+$0xFFFFFFC0];
	[tilespmem:s21+$0x1020 ss:$0x81] =	vst.msk $0xffff, v5;
	s20 =	sadd.s32 $0x80, s20  }
0x5e: {  	s23 =	simm.s32 $0x4;
	s24 =	simm.s32 $0x8;
	s19 =	sor.u32 $0x8000, s19;
	[tilespmem:s21+$0x1830 ss:$0x81] =	vst.msk $0xffff, v6;
	v0 =	vld [tilespmem:s20+$0x30]  }
.LBB1_3:
0x5f: {  	p1 =	sne.s32 s24, $0x1FC;
	v5 =	vld [tilespmem:s20+$0xFFFFFFD0];
	[tilespmem:s21+$0x2040 ss:$0x81] =	vst.msk $0xffff, v4  }
0x60: {  	v6 =	vld [tilespmem:s20+$0xFFFFFFE0];
	[tilespmem:s21+$0x2850 ss:$0x81] =	vst.msk $0xffff, v3  }
0x61: {  	s25 =	sshra.s32 s23, $0x2;
	s23 =	smov.u32 s24;
	v7 =	vld [tilespmem:s20+$0xFFFFFFF0];
	[tilespmem:s21+$0x3060 ss:$0x81] =	vst.msk $0xffff, v2  }
.Ltmp3:
0x62: {  	v4 =	vld [tilespmem:s20+$0x0];
	[tilespmem:s21+$0x0 ss:$0x81] =	vst.msk $0xffff, v1;
	s21 =	sadd.s32 s25, s22;
	(pc) =	sbr.rel @p1 .LBB1_3-.Ltmp3, $4  }
0x63: {  	v3 =	vld [tilespmem:s20+$0x10];
	[tilespmem:s21+$0x3870 ss:$0x81] =	vst.msk $0xffff, v0  }
0x64: {  	[tilespmem:s21+$0x810 ss:$0x81] =	vst.msk $0xffff, v5;
	v2 =	vld [tilespmem:s20+$0x20]  }
0x65: {  	v1 =	vld [tilespmem:s20+$0xFFFFFFC0];
	[tilespmem:s21+$0x1020 ss:$0x81] =	vst.msk $0xffff, v6;
	s20 =	sadd.s32 $0x80, s20  }
0x66: {  	s24 =	sadd.s32 $0x4, s24;
	v0 =	vld [tilespmem:s20+$0x30];
	[tilespmem:s21+$0x1830 ss:$0x81] =	vst.msk $0xffff, v7  }
.Ltmp4:
0x67: {  	_ = 	snop;
	(pc) =	sbr.rel .LBB1_4-.Ltmp4, $1  }
0x68: {  	_ =	sdelay $0x3  }
.LBB1_6:
0x69: {  	_ =	sfence.sel $0x180000  }
0x6a: {  	s2 =	simm.s32 $0x1;
	[bflag:$0x0] =	sbarrier.arrive $0xFFFF  }
0x6b: {  	s31 =	simm.s32 $0x2;
	[sflag:s2] =	ssyncpa.u1 $0x1  }
0x6c: {  	[sflag:s31] =	ssyncpa.u1 $0x1  }
0x6d: {  	p0 =	sne.s32 s0, $0x0;
	_ =	strace $0x9000004D  }
0x6e: {  	s0 =	sadd.s32 @!p0 $0x100000, s1;
	[bflag:$0x2] =	sbarrier.arrive $0xFFFF  }
0x6f: {  	[sflag:s0] =	ssyncadd.tile.s32 @!p0 $0x1;
	_ =	shalt  }
.Lfunc_end1:
_tile_overlayer_lowered:
.L_overlay_start_2:
0x70: {  	(tag) =	ssettag $0x2  }
0x71: {  	s0 =	rddreg [dreg:$0x0];
	s2 =	stileid.u32  }
0x72: {  	s1 =	rddreg [dreg:$0x1];
	p0 =	sne.s32 s2, $0x0  }
0x73: {  	s3 =	rddreg [dreg:$0x2];
	[bflag:$0x3] =	sbarrier.arrive $0xFFFF;
	s2 =	simm.s32 @!p0 $0x1C01  }
0x74: {  	[timem:s3], [sflag:s2] =	dma.local @!p0 [hbm:s0], s1  }
0x75: {  	s0 =	simm.s32 @!p0 $0x1  }
0x76: {  	_ =	swait.ge @!p0 [sflag:s0], s1  }
0x77: {  	s1 =	ssub.s32 @!p0 $0x0, s1;
	[sflag:s0] =	ssyncset.done @!p0 $0x0  }
0x78: {  	[sflag:s0] =	ssyncadd.s32 @!p0 s1  }
0x79: {  	[bflag:$0x3] =	sbarrier.arrive $0xFFFF  }
0x7a: {  	_ =	shalt  }

</sc_bundles>
